<compile_context>
chip_gen: v7x
topology: tpu7x:2x2x1
jax: 0.10.2.dev20260603
libtpu: 0.0.44.dev20260713+nightly
codegen_flags: <defaults>
</compile_context>

<pallas_src>
import functools
import jax
import jax.numpy as jnp
from jax import lax
from jax.experimental import pallas as pl
from jax.experimental.pallas import tpu as pltpu
from jax.experimental.pallas import tpu_sc as plsc

VOCAB = 100000
NADD = 1024
D = 64
BATCH = 4096
HIST = 200
B = BATCH * HIST
NC, NS = 2, 16
NW = NC * NS
BPW = B // NW
CH = 640
NCHUNK = BPW // CH
GW = 640
NSUB = CH // GW

_mesh = plsc.VectorSubcoreMesh(core_axis_name="c", subcore_axis_name="s")


@functools.partial(
    pl.kernel,
    mesh=_mesh,
    out_type=jax.ShapeDtypeStruct((B, D), jnp.float32),
    scratch_types=[
        pltpu.VMEM((2, CH), jnp.int32),
        pltpu.VMEM((2, CH, D), jnp.float32),
        pltpu.SemaphoreType.DMA,
        pltpu.SemaphoreType.DMA,
        pltpu.SemaphoreType.DMA,
        pltpu.SemaphoreType.DMA,
        pltpu.SemaphoreType.DMA,
        pltpu.SemaphoreType.DMA,
    ],
    compiler_params=pltpu.CompilerParams(use_tc_tiling_on_sc=False),
)
def _gather_kernel(table_hbm, idx_hbm, out_hbm, idx_v, rows_v,
                   isem0, isem1, gsem0, gsem1, ssem0, ssem1):
    wid = lax.axis_index("s") * NC + lax.axis_index("c")
    base = wid * BPW
    isems = (isem0, isem1)
    gsems = (gsem0, gsem1)
    ssems = (ssem0, ssem1)

    def idx_copy(c, b):
        return pltpu.make_async_copy(
            idx_hbm.at[pl.ds(base + c * CH, CH)], idx_v.at[b], isems[b])

    def gather_copy(j, b):
        return pltpu.make_async_copy(
            table_hbm.at[idx_v.at[b].at[pl.ds(j * GW, GW)]],
            rows_v.at[b].at[pl.ds(j * GW, GW)],
            gsems[b])

    def store_copy(c, b):
        return pltpu.make_async_copy(
            rows_v.at[b], out_hbm.at[pl.ds(base + c * CH, CH)], ssems[b])

    def fire_gathers(b):
        for j in range(NSUB):
            gather_copy(j, b).start()

    def drain_gathers(b):
        for j in range(NSUB):
            gather_copy(j, b).wait()

    idx_copy(0, 0).start()
    idx_copy(0, 0).wait()
    fire_gathers(0)
    idx_copy(1, 1).start()
    idx_copy(1, 1).wait()
    fire_gathers(1)
    drain_gathers(0)
    store_copy(0, 0).start()
    idx_copy(2, 0).start()

    def pair_body(g, _):
        for b in range(2):
            c = 2 * g + b
            idx_copy(c, b).wait()
            store_copy(c - 2, b).wait()
            fire_gathers(b)
            drain_gathers(1 - b)
            store_copy(c - 1, 1 - b).start()
            nxt = c + 1
            nxt = jnp.where(nxt == NCHUNK, 0, nxt)
            idx_copy(nxt, 1 - b).start()
        return ()

    lax.fori_loop(1, NCHUNK // 2, pair_body, ())

    drain_gathers(1)
    store_copy(NCHUNK - 1, 1).start()
    store_copy(NCHUNK - 2, 0).wait()
    store_copy(NCHUNK - 1, 1).wait()
    idx_copy(0, 0).wait()


@jax.jit
def _impl(embed_frozen, weights_train, idx):
    table = jnp.concatenate((embed_frozen, weights_train), axis=0)
    idx2 = idx.reshape(B).astype(jnp.int32)
    out = _gather_kernel(table, idx2)
    return out.reshape(BATCH, HIST, D)


def kernel(embed_frozen, weights_train, idx):
    return _impl(embed_frozen, weights_train, idx)

# --- scband reference (transcript-rebuilt; emitter-appended) ---
"""Pipeline reference for scband-partial-embedding-82265803587704 (READ-ONLY COPY).

The authoritative reference and input builder live on the scoring server;
editing this copy changes nothing except your own understanding.
"""

import jax, jax.numpy as jnp
import numpy as np

VOCAB_FROZEN = 100000
N_ADDED = 1024
EMBED_DIM = 64
BATCH = 4096
HIST = 200

def setup_inputs(seed: int = 0) -> dict:
    key = jax.random.key(seed)
    k1, k2, k3 = jax.random.split(key, 3)
    embed_frozen = jax.random.normal(k1, (VOCAB_FROZEN, EMBED_DIM), dtype=jnp.float32)
    weights_train = jax.random.normal(k2, (N_ADDED, EMBED_DIM), dtype=jnp.float32)
    idx = jax.random.randint(k3, (BATCH, HIST), 0, VOCAB_FROZEN + N_ADDED, dtype=jnp.int64 if jax.config.jax_enable_x64 else jnp.int32)
    return {"embed_frozen": embed_frozen, "weights_train": weights_train, "idx": idx}

def reference(embed_frozen, weights_train, idx):
    # PartialEmbedding.forward: concat frozen table with trainable added rows, then F.embedding lookup
    embed_vec = jnp.concatenate((embed_frozen, weights_train), axis=0)
    lookup = jnp.take(embed_vec, idx, axis=0)
    return lookup

if __name__ == "__main__":
    import jax
    _d = setup_inputs()
    print(jax.jit(kernel)(*tuple(_d.values())))

</pallas_src>

<mosaic_0001>
#map = affine_map<(d0, d1) -> (0, 0)>
#map1 = affine_map<(d0, d1) -> (0)>
module attributes {stable_mosaic.version = 14 : i64} {
  func.func @_gather_kernel(%arg0: i32, %arg1: i32, %arg2: memref<101024x64xf32, #tpu.memory_space<hbm>>, %arg3: memref<819200xi32, #tpu.memory_space<hbm>>, %arg4: memref<819200x64xf32, #tpu.memory_space<hbm>>, %arg5: memref<2x640xi32, #tpu.memory_space<vmem>>, %arg6: memref<2x640x64xf32, #tpu.memory_space<vmem>>, %arg7: memref<!tpu.dma_semaphore, #tpu.memory_space<semaphore_mem>>, %arg8: memref<!tpu.dma_semaphore, #tpu.memory_space<semaphore_mem>>, %arg9: memref<!tpu.dma_semaphore, #tpu.memory_space<semaphore_mem>>, %arg10: memref<!tpu.dma_semaphore, #tpu.memory_space<semaphore_mem>>, %arg11: memref<!tpu.dma_semaphore, #tpu.memory_space<semaphore_mem>>, %arg12: memref<!tpu.dma_semaphore, #tpu.memory_space<semaphore_mem>>) attributes {dimension_semantics = [#tpu.dimension_semantics<core_parallel>, #tpu.dimension_semantics<subcore_parallel>], iteration_bounds = array<i64: 2, 16>, scalar_prefetch = 0 : i64, scratch_operands = 8 : i64, tpu.core_type = #tpu.core_type<sc_vector_subcore>, window_params = [{transform_indices = #map}, {transform_indices = #map1}, {transform_indices = #map}]} {
    %mul3A = arith.constant 2 : i32
    %mul3A_0 = arith.muli %arg1, %mul3A : i32
    %add3A = arith.addi %mul3A_0, %arg0 : i32
    %mul3A_1 = arith.constant 25600 : i32
    %mul3A_2 = arith.muli %add3A, %mul3A_1 : i32
    %add3A_3 = arith.constant 0 : i32
    %add3A_4 = arith.addi %mul3A_2, %add3A_3 : i32
    %dma_start3A = arith.constant 0 : i32
    %dma_start3A_5 = arith.constant 0 : i32
    %dma_start3A_6 = tpu.memref_slice %arg5[%dma_start3A, %dma_start3A_5] : memref<2x640xi32, #tpu.memory_space<vmem>> -> memref<1x640xi32, #tpu.memory_space<vmem>>
    %dma_start3A_7 = tpu.memref_squeeze %dma_start3A_6 : memref<1x640xi32, #tpu.memory_space<vmem>> -> memref<640xi32, #tpu.memory_space<vmem>>
    %dma_start3A_8 = tpu.memref_slice %arg3[%add3A_4] : memref<819200xi32, #tpu.memory_space<hbm>> -> memref<640xi32, #tpu.memory_space<hbm>>
    %dma_start3A_9 = arith.constant 0 : i32
    %dma_start3A_10 = tpu.memref_slice %arg5[%dma_start3A, %dma_start3A_9] : memref<2x640xi32, #tpu.memory_space<vmem>> -> memref<1x640xi32, #tpu.memory_space<vmem>>
    %dma_start3A_11 = tpu.memref_squeeze %dma_start3A_10 : memref<1x640xi32, #tpu.memory_space<vmem>> -> memref<640xi32, #tpu.memory_space<vmem>>
    %dma_start3A_12 = tpu.memref_slice %arg3[%add3A_4] : memref<819200xi32, #tpu.memory_space<hbm>> -> memref<640xi32, #tpu.memory_space<hbm>>
    tpu.enqueue_dma source(%dma_start3A_12 : memref<640xi32, #tpu.memory_space<hbm>>) target(%dma_start3A_11 : memref<640xi32, #tpu.memory_space<vmem>>) target_semaphore(%arg7 : memref<!tpu.dma_semaphore, #tpu.memory_space<semaphore_mem>>)
    %add3A_13 = arith.constant 0 : i32
    %add3A_14 = arith.addi %mul3A_2, %add3A_13 : i32
    %dma_wait3A = arith.constant 0 : i32
    %dma_wait3A_15 = arith.constant 0 : i32
    %dma_wait3A_16 = tpu.memref_slice %arg5[%dma_wait3A, %dma_wait3A_15] : memref<2x640xi32, #tpu.memory_space<vmem>> -> memref<1x640xi32, #tpu.memory_space<vmem>>
    %dma_wait3A_17 = tpu.memref_squeeze %dma_wait3A_16 : memref<1x640xi32, #tpu.memory_space<vmem>> -> memref<640xi32, #tpu.memory_space<vmem>>
    %dma_wait3A_18 = tpu.memref_slice %arg3[%add3A_14] : memref<819200xi32, #tpu.memory_space<hbm>> -> memref<640xi32, #tpu.memory_space<hbm>>
    %dma_wait3A_19 = arith.constant 0 : i32
    %dma_wait3A_20 = tpu.memref_slice %arg5[%dma_wait3A, %dma_wait3A_19] : memref<2x640xi32, #tpu.memory_space<vmem>> -> memref<1x640xi32, #tpu.memory_space<vmem>>
    %dma_wait3A_21 = tpu.memref_squeeze %dma_wait3A_20 : memref<1x640xi32, #tpu.memory_space<vmem>> -> memref<640xi32, #tpu.memory_space<vmem>>
    %dma_wait3A_22 = tpu.memref_slice %arg3[%add3A_14] : memref<819200xi32, #tpu.memory_space<hbm>> -> memref<640xi32, #tpu.memory_space<hbm>>
    tpu.wait_dma2 semaphore(%arg7 : memref<!tpu.dma_semaphore, #tpu.memory_space<semaphore_mem>>) src(%dma_wait3A_22 : memref<640xi32, #tpu.memory_space<hbm>>) dst(%dma_wait3A_21 : memref<640xi32, #tpu.memory_space<vmem>>)
    %dma_start3A_23 = arith.constant 0 : i32
    %dma_start3A_24 = arith.constant 0 : i32
    %dma_start3A_25 = arith.constant 0 : i32
    %dma_start3A_26 = arith.constant 0 : i32
    %dma_start3A_27 = tpu.memref_slice %arg6[%dma_start3A_24, %dma_start3A_25, %dma_start3A_26] : memref<2x640x64xf32, #tpu.memory_space<vmem>> -> memref<1x640x64xf32, #tpu.memory_space<vmem>>
    %dma_start3A_28 = tpu.memref_squeeze %dma_start3A_27 : memref<1x640x64xf32, #tpu.memory_space<vmem>> -> memref<640x64xf32, #tpu.memory_space<vmem>>
    %dma_start3A_29 = arith.constant 0 : i32
    %dma_start3A_30 = arith.constant 0 : i32
    %dma_start3A_31 = tpu.memref_slice %dma_start3A_28[%dma_start3A_29, %dma_start3A_30] : memref<640x64xf32, #tpu.memory_space<vmem>> -> memref<640x64xf32, #tpu.memory_space<vmem>>
    %dma_start3A_32 = arith.constant 0 : i32
    %dma_start3A_33 = tpu.memref_slice %arg5[%dma_start3A_23, %dma_start3A_32] : memref<2x640xi32, #tpu.memory_space<vmem>> -> memref<1x640xi32, #tpu.memory_space<vmem>>
    %dma_start3A_34 = tpu.memref_squeeze %dma_start3A_33 : memref<1x640xi32, #tpu.memory_space<vmem>> -> memref<640xi32, #tpu.memory_space<vmem>>
    %dma_start3A_35 = arith.constant 0 : i32
    %dma_start3A_36 = tpu.memref_slice %dma_start3A_34[%dma_start3A_35] : memref<640xi32, #tpu.memory_space<vmem>> -> memref<640xi32, #tpu.memory_space<vmem>>
    %dma_start3A_37 = arith.constant 0 : i32
    %dma_start3A_38 = arith.constant 0 : i32
    %dma_start3A_39 = tpu.memref_slice %arg2[%dma_start3A_37, %dma_start3A_38] : memref<101024x64xf32, #tpu.memory_space<hbm>> -> memref<101024x64xf32, #tpu.memory_space<hbm>>
    tpu.enqueue_indirect_dma source(%dma_start3A_39 : memref<101024x64xf32, #tpu.memory_space<hbm>>) target(%dma_start3A_31 : memref<640x64xf32, #tpu.memory_space<vmem>>) offsets(%dma_start3A_36 : memref<640xi32, #tpu.memory_space<vmem>>) semaphore(%arg9 : memref<!tpu.dma_semaphore, #tpu.memory_space<semaphore_mem>>)
    %add3A_40 = arith.constant 640 : i32
    %add3A_41 = arith.addi %mul3A_2, %add3A_40 : i32
    %dma_start3A_42 = arith.constant 1 : i32
    %dma_start3A_43 = arith.constant 0 : i32
    %dma_start3A_44 = tpu.memref_slice %arg5[%dma_start3A_42, %dma_start3A_43] : memref<2x640xi32, #tpu.memory_space<vmem>> -> memref<1x640xi32, #tpu.memory_space<vmem>>
    %dma_start3A_45 = tpu.memref_squeeze %dma_start3A_44 : memref<1x640xi32, #tpu.memory_space<vmem>> -> memref<640xi32, #tpu.memory_space<vmem>>
    %dma_start3A_46 = tpu.memref_slice %arg3[%add3A_41] : memref<819200xi32, #tpu.memory_space<hbm>> -> memref<640xi32, #tpu.memory_space<hbm>>
    %dma_start3A_47 = arith.constant 0 : i32
    %dma_start3A_48 = tpu.memref_slice %arg5[%dma_start3A_42, %dma_start3A_47] : memref<2x640xi32, #tpu.memory_space<vmem>> -> memref<1x640xi32, #tpu.memory_space<vmem>>
    %dma_start3A_49 = tpu.memref_squeeze %dma_start3A_48 : memref<1x640xi32, #tpu.memory_space<vmem>> -> memref<640xi32, #tpu.memory_space<vmem>>
    %dma_start3A_50 = tpu.memref_slice %arg3[%add3A_41] : memref<819200xi32, #tpu.memory_space<hbm>> -> memref<640xi32, #tpu.memory_space<hbm>>
    tpu.enqueue_dma source(%dma_start3A_50 : memref<640xi32, #tpu.memory_space<hbm>>) target(%dma_start3A_49 : memref<640xi32, #tpu.memory_space<vmem>>) target_semaphore(%arg8 : memref<!tpu.dma_semaphore, #tpu.memory_space<semaphore_mem>>)
    %add3A_51 = arith.constant 640 : i32
    %add3A_52 = arith.addi %mul3A_2, %add3A_51 : i32
    %dma_wait3A_53 = arith.constant 1 : i32
    %dma_wait3A_54 = arith.constant 0 : i32
    %dma_wait3A_55 = tpu.memref_slice %arg5[%dma_wait3A_53, %dma_wait3A_54] : memref<2x640xi32, #tpu.memory_space<vmem>> -> memref<1x640xi32, #tpu.memory_space<vmem>>
    %dma_wait3A_56 = tpu.memref_squeeze %dma_wait3A_55 : memref<1x640xi32, #tpu.memory_space<vmem>> -> memref<640xi32, #tpu.memory_space<vmem>>
    %dma_wait3A_57 = tpu.memref_slice %arg3[%add3A_52] : memref<819200xi32, #tpu.memory_space<hbm>> -> memref<640xi32, #tpu.memory_space<hbm>>
    %dma_wait3A_58 = arith.constant 0 : i32
    %dma_wait3A_59 = tpu.memref_slice %arg5[%dma_wait3A_53, %dma_wait3A_58] : memref<2x640xi32, #tpu.memory_space<vmem>> -> memref<1x640xi32, #tpu.memory_space<vmem>>
    %dma_wait3A_60 = tpu.memref_squeeze %dma_wait3A_59 : memref<1x640xi32, #tpu.memory_space<vmem>> -> memref<640xi32, #tpu.memory_space<vmem>>
    %dma_wait3A_61 = tpu.memref_slice %arg3[%add3A_52] : memref<819200xi32, #tpu.memory_space<hbm>> -> memref<640xi32, #tpu.memory_space<hbm>>
    tpu.wait_dma2 semaphore(%arg8 : memref<!tpu.dma_semaphore, #tpu.memory_space<semaphore_mem>>) src(%dma_wait3A_61 : memref<640xi32, #tpu.memory_space<hbm>>) dst(%dma_wait3A_60 : memref<640xi32, #tpu.memory_space<vmem>>)
    %dma_start3A_62 = arith.constant 1 : i32
    %dma_start3A_63 = arith.constant 1 : i32
    %dma_start3A_64 = arith.constant 0 : i32
    %dma_start3A_65 = arith.constant 0 : i32
    %dma_start3A_66 = tpu.memref_slice %arg6[%dma_start3A_63, %dma_start3A_64, %dma_start3A_65] : memref<2x640x64xf32, #tpu.memory_space<vmem>> -> memref<1x640x64xf32, #tpu.memory_space<vmem>>
    %dma_start3A_67 = tpu.memref_squeeze %dma_start3A_66 : memref<1x640x64xf32, #tpu.memory_space<vmem>> -> memref<640x64xf32, #tpu.memory_space<vmem>>
    %dma_start3A_68 = arith.constant 0 : i32
    %dma_start3A_69 = arith.constant 0 : i32
    %dma_start3A_70 = tpu.memref_slice %dma_start3A_67[%dma_start3A_68, %dma_start3A_69] : memref<640x64xf32, #tpu.memory_space<vmem>> -> memref<640x64xf32, #tpu.memory_space<vmem>>
    %dma_start3A_71 = arith.constant 0 : i32
    %dma_start3A_72 = tpu.memref_slice %arg5[%dma_start3A_62, %dma_start3A_71] : memref<2x640xi32, #tpu.memory_space<vmem>> -> memref<1x640xi32, #tpu.memory_space<vmem>>
    %dma_start3A_73 = tpu.memref_squeeze %dma_start3A_72 : memref<1x640xi32, #tpu.memory_space<vmem>> -> memref<640xi32, #tpu.memory_space<vmem>>
    %dma_start3A_74 = arith.constant 0 : i32
    %dma_start3A_75 = tpu.memref_slice %dma_start3A_73[%dma_start3A_74] : memref<640xi32, #tpu.memory_space<vmem>> -> memref<640xi32, #tpu.memory_space<vmem>>
    %dma_start3A_76 = arith.constant 0 : i32
    %dma_start3A_77 = arith.constant 0 : i32
    %dma_start3A_78 = tpu.memref_slice %arg2[%dma_start3A_76, %dma_start3A_77] : memref<101024x64xf32, #tpu.memory_space<hbm>> -> memref<101024x64xf32, #tpu.memory_space<hbm>>
    tpu.enqueue_indirect_dma source(%dma_start3A_78 : memref<101024x64xf32, #tpu.memory_space<hbm>>) target(%dma_start3A_70 : memref<640x64xf32, #tpu.memory_space<vmem>>) offsets(%dma_start3A_75 : memref<640xi32, #tpu.memory_space<vmem>>) semaphore(%arg10 : memref<!tpu.dma_semaphore, #tpu.memory_space<semaphore_mem>>)
    %dma_wait3A_79 = arith.constant 0 : i32
    %dma_wait3A_80 = arith.constant 0 : i32
    %dma_wait3A_81 = arith.constant 0 : i32
    %dma_wait3A_82 = arith.constant 0 : i32
    %dma_wait3A_83 = tpu.memref_slice %arg6[%dma_wait3A_80, %dma_wait3A_81, %dma_wait3A_82] : memref<2x640x64xf32, #tpu.memory_space<vmem>> -> memref<1x640x64xf32, #tpu.memory_space<vmem>>
    %dma_wait3A_84 = tpu.memref_squeeze %dma_wait3A_83 : memref<1x640x64xf32, #tpu.memory_space<vmem>> -> memref<640x64xf32, #tpu.memory_space<vmem>>
    %dma_wait3A_85 = arith.constant 0 : i32
    %dma_wait3A_86 = arith.constant 0 : i32
    %dma_wait3A_87 = tpu.memref_slice %dma_wait3A_84[%dma_wait3A_85, %dma_wait3A_86] : memref<640x64xf32, #tpu.memory_space<vmem>> -> memref<640x64xf32, #tpu.memory_space<vmem>>
    %dma_wait3A_88 = arith.constant 0 : i32
    %dma_wait3A_89 = tpu.memref_slice %arg5[%dma_wait3A_79, %dma_wait3A_88] : memref<2x640xi32, #tpu.memory_space<vmem>> -> memref<1x640xi32, #tpu.memory_space<vmem>>
    %dma_wait3A_90 = tpu.memref_squeeze %dma_wait3A_89 : memref<1x640xi32, #tpu.memory_space<vmem>> -> memref<640xi32, #tpu.memory_space<vmem>>
    %dma_wait3A_91 = arith.constant 0 : i32
    %dma_wait3A_92 = tpu.memref_slice %dma_wait3A_90[%dma_wait3A_91] : memref<640xi32, #tpu.memory_space<vmem>> -> memref<640xi32, #tpu.memory_space<vmem>>
    %dma_wait3A_93 = arith.constant 0 : i32
    %dma_wait3A_94 = arith.constant 0 : i32
    %dma_wait3A_95 = tpu.memref_slice %arg2[%dma_wait3A_93, %dma_wait3A_94] : memref<101024x64xf32, #tpu.memory_space<hbm>> -> memref<101024x64xf32, #tpu.memory_space<hbm>>
    tpu.wait_indirect_dma semaphore(%arg9 : memref<!tpu.dma_semaphore, #tpu.memory_space<semaphore_mem>>) src(%dma_wait3A_95 : memref<101024x64xf32, #tpu.memory_space<hbm>>) dst(%dma_wait3A_87 : memref<640x64xf32, #tpu.memory_space<vmem>>)
    %add3A_96 = arith.constant 0 : i32
    %add3A_97 = arith.addi %mul3A_2, %add3A_96 : i32
    %dma_start3A_98 = arith.constant 0 : i32
    %dma_start3A_99 = arith.constant 0 : i32
    %dma_start3A_100 = arith.constant 0 : i32
    %dma_start3A_101 = tpu.memref_slice %arg6[%dma_start3A_98, %dma_start3A_99, %dma_start3A_100] : memref<2x640x64xf32, #tpu.memory_space<vmem>> -> memref<1x640x64xf32, #tpu.memory_space<vmem>>
    %dma_start3A_102 = tpu.memref_squeeze %dma_start3A_101 : memref<1x640x64xf32, #tpu.memory_space<vmem>> -> memref<640x64xf32, #tpu.memory_space<vmem>>
    %dma_start3A_103 = arith.constant 0 : i32
    %dma_start3A_104 = tpu.memref_slice %arg4[%add3A_97, %dma_start3A_103] : memref<819200x64xf32, #tpu.memory_space<hbm>> -> memref<640x64xf32, #tpu.memory_space<hbm>>
    %dma_start3A_105 = arith.constant 0 : i32
    %dma_start3A_106 = tpu.memref_slice %arg4[%add3A_97, %dma_start3A_105] : memref<819200x64xf32, #tpu.memory_space<hbm>> -> memref<640x64xf32, #tpu.memory_space<hbm>>
    %dma_start3A_107 = arith.constant 0 : i32
    %dma_start3A_108 = arith.constant 0 : i32
    %dma_start3A_109 = tpu.memref_slice %arg6[%dma_start3A_98, %dma_start3A_107, %dma_start3A_108] : memref<2x640x64xf32, #tpu.memory_space<vmem>> -> memref<1x640x64xf32, #tpu.memory_space<vmem>>
    %dma_start3A_110 = tpu.memref_squeeze %dma_start3A_109 : memref<1x640x64xf32, #tpu.memory_space<vmem>> -> memref<640x64xf32, #tpu.memory_space<vmem>>
    tpu.enqueue_dma source(%dma_start3A_110 : memref<640x64xf32, #tpu.memory_space<vmem>>) target(%dma_start3A_106 : memref<640x64xf32, #tpu.memory_space<hbm>>) target_semaphore(%arg11 : memref<!tpu.dma_semaphore, #tpu.memory_space<semaphore_mem>>)
    %add3A_111 = arith.constant 1280 : i32
    %add3A_112 = arith.addi %mul3A_2, %add3A_111 : i32
    %dma_start3A_113 = arith.constant 0 : i32
    %dma_start3A_114 = arith.constant 0 : i32
    %dma_start3A_115 = tpu.memref_slice %arg5[%dma_start3A_113, %dma_start3A_114] : memref<2x640xi32, #tpu.memory_space<vmem>> -> memref<1x640xi32, #tpu.memory_space<vmem>>
    %dma_start3A_116 = tpu.memref_squeeze %dma_start3A_115 : memref<1x640xi32, #tpu.memory_space<vmem>> -> memref<640xi32, #tpu.memory_space<vmem>>
    %dma_start3A_117 = tpu.memref_slice %arg3[%add3A_112] : memref<819200xi32, #tpu.memory_space<hbm>> -> memref<640xi32, #tpu.memory_space<hbm>>
    %dma_start3A_118 = arith.constant 0 : i32
    %dma_start3A_119 = tpu.memref_slice %arg5[%dma_start3A_113, %dma_start3A_118] : memref<2x640xi32, #tpu.memory_space<vmem>> -> memref<1x640xi32, #tpu.memory_space<vmem>>
    %dma_start3A_120 = tpu.memref_squeeze %dma_start3A_119 : memref<1x640xi32, #tpu.memory_space<vmem>> -> memref<640xi32, #tpu.memory_space<vmem>>
    %dma_start3A_121 = tpu.memref_slice %arg3[%add3A_112] : memref<819200xi32, #tpu.memory_space<hbm>> -> memref<640xi32, #tpu.memory_space<hbm>>
    tpu.enqueue_dma source(%dma_start3A_121 : memref<640xi32, #tpu.memory_space<hbm>>) target(%dma_start3A_120 : memref<640xi32, #tpu.memory_space<vmem>>) target_semaphore(%arg7 : memref<!tpu.dma_semaphore, #tpu.memory_space<semaphore_mem>>)
    %scan3A = arith.constant 1 : i32
    %scan3A_122 = arith.constant 19 : i32
    %scan3A_123 = arith.addi %scan3A, %scan3A_122 : i32
    %scan3A_124 = arith.constant 1 : i32
    scf.for %scan3A_199 = %scan3A to %scan3A_123 step %scan3A_124  : i32 {
      %mul3A_200 = arith.constant 2 : i32
      %mul3A_201 = arith.muli %mul3A_200, %scan3A_199 : i32
      %add3A_202 = arith.constant 0 : i32
      %add3A_203 = arith.addi %mul3A_201, %add3A_202 : i32
      %mul3A_204 = arith.constant 640 : i32
      %mul3A_205 = arith.muli %add3A_203, %mul3A_204 : i32
      %add3A_206 = arith.addi %mul3A_2, %mul3A_205 : i32
      %dma_wait3A_207 = arith.constant 0 : i32
      %dma_wait3A_208 = arith.constant 0 : i32
      %dma_wait3A_209 = tpu.memref_slice %arg5[%dma_wait3A_207, %dma_wait3A_208] : memref<2x640xi32, #tpu.memory_space<vmem>> -> memref<1x640xi32, #tpu.memory_space<vmem>>
      %dma_wait3A_210 = tpu.memref_squeeze %dma_wait3A_209 : memref<1x640xi32, #tpu.memory_space<vmem>> -> memref<640xi32, #tpu.memory_space<vmem>>
      %dma_wait3A_211 = tpu.memref_slice %arg3[%add3A_206] : memref<819200xi32, #tpu.memory_space<hbm>> -> memref<640xi32, #tpu.memory_space<hbm>>
      %dma_wait3A_212 = arith.constant 0 : i32
      %dma_wait3A_213 = tpu.memref_slice %arg5[%dma_wait3A_207, %dma_wait3A_212] : memref<2x640xi32, #tpu.memory_space<vmem>> -> memref<1x640xi32, #tpu.memory_space<vmem>>
      %dma_wait3A_214 = tpu.memref_squeeze %dma_wait3A_213 : memref<1x640xi32, #tpu.memory_space<vmem>> -> memref<640xi32, #tpu.memory_space<vmem>>
      %dma_wait3A_215 = tpu.memref_slice %arg3[%add3A_206] : memref<819200xi32, #tpu.memory_space<hbm>> -> memref<640xi32, #tpu.memory_space<hbm>>
      tpu.wait_dma2 semaphore(%arg7 : memref<!tpu.dma_semaphore, #tpu.memory_space<semaphore_mem>>) src(%dma_wait3A_215 : memref<640xi32, #tpu.memory_space<hbm>>) dst(%dma_wait3A_214 : memref<640xi32, #tpu.memory_space<vmem>>)
      %sub3A = arith.constant 2 : i32
      %sub3A_216 = arith.subi %add3A_203, %sub3A : i32
      %mul3A_217 = arith.constant 640 : i32
      %mul3A_218 = arith.muli %sub3A_216, %mul3A_217 : i32
      %add3A_219 = arith.addi %mul3A_2, %mul3A_218 : i32
      %dma_wait3A_220 = arith.constant 0 : i32
      %dma_wait3A_221 = arith.constant 0 : i32
      %dma_wait3A_222 = arith.constant 0 : i32
      %dma_wait3A_223 = tpu.memref_slice %arg6[%dma_wait3A_220, %dma_wait3A_221, %dma_wait3A_222] : memref<2x640x64xf32, #tpu.memory_space<vmem>> -> memref<1x640x64xf32, #tpu.memory_space<vmem>>
      %dma_wait3A_224 = tpu.memref_squeeze %dma_wait3A_223 : memref<1x640x64xf32, #tpu.memory_space<vmem>> -> memref<640x64xf32, #tpu.memory_space<vmem>>
      %dma_wait3A_225 = arith.constant 0 : i32
      %dma_wait3A_226 = tpu.memref_slice %arg4[%add3A_219, %dma_wait3A_225] : memref<819200x64xf32, #tpu.memory_space<hbm>> -> memref<640x64xf32, #tpu.memory_space<hbm>>
      %dma_wait3A_227 = arith.constant 0 : i32
      %dma_wait3A_228 = tpu.memref_slice %arg4[%add3A_219, %dma_wait3A_227] : memref<819200x64xf32, #tpu.memory_space<hbm>> -> memref<640x64xf32, #tpu.memory_space<hbm>>
      %dma_wait3A_229 = arith.constant 0 : i32
      %dma_wait3A_230 = arith.constant 0 : i32
      %dma_wait3A_231 = tpu.memref_slice %arg6[%dma_wait3A_220, %dma_wait3A_229, %dma_wait3A_230] : memref<2x640x64xf32, #tpu.memory_space<vmem>> -> memref<1x640x64xf32, #tpu.memory_space<vmem>>
      %dma_wait3A_232 = tpu.memref_squeeze %dma_wait3A_231 : memref<1x640x64xf32, #tpu.memory_space<vmem>> -> memref<640x64xf32, #tpu.memory_space<vmem>>
      tpu.wait_dma2 semaphore(%arg11 : memref<!tpu.dma_semaphore, #tpu.memory_space<semaphore_mem>>) src(%dma_wait3A_232 : memref<640x64xf32, #tpu.memory_space<vmem>>) dst(%dma_wait3A_228 : memref<640x64xf32, #tpu.memory_space<hbm>>)
      %dma_start3A_233 = arith.constant 0 : i32
      %dma_start3A_234 = arith.constant 0 : i32
      %dma_start3A_235 = arith.constant 0 : i32
      %dma_start3A_236 = arith.constant 0 : i32
      %dma_start3A_237 = tpu.memref_slice %arg6[%dma_start3A_234, %dma_start3A_235, %dma_start3A_236] : memref<2x640x64xf32, #tpu.memory_space<vmem>> -> memref<1x640x64xf32, #tpu.memory_space<vmem>>
      %dma_start3A_238 = tpu.memref_squeeze %dma_start3A_237 : memref<1x640x64xf32, #tpu.memory_space<vmem>> -> memref<640x64xf32, #tpu.memory_space<vmem>>
      %dma_start3A_239 = arith.constant 0 : i32
      %dma_start3A_240 = arith.constant 0 : i32
      %dma_start3A_241 = tpu.memref_slice %dma_start3A_238[%dma_start3A_239, %dma_start3A_240] : memref<640x64xf32, #tpu.memory_space<vmem>> -> memref<640x64xf32, #tpu.memory_space<vmem>>
      %dma_start3A_242 = arith.constant 0 : i32
      %dma_start3A_243 = tpu.memref_slice %arg5[%dma_start3A_233, %dma_start3A_242] : memref<2x640xi32, #tpu.memory_space<vmem>> -> memref<1x640xi32, #tpu.memory_space<vmem>>
      %dma_start3A_244 = tpu.memref_squeeze %dma_start3A_243 : memref<1x640xi32, #tpu.memory_space<vmem>> -> memref<640xi32, #tpu.memory_space<vmem>>
      %dma_start3A_245 = arith.constant 0 : i32
      %dma_start3A_246 = tpu.memref_slice %dma_start3A_244[%dma_start3A_245] : memref<640xi32, #tpu.memory_space<vmem>> -> memref<640xi32, #tpu.memory_space<vmem>>
      %dma_start3A_247 = arith.constant 0 : i32
      %dma_start3A_248 = arith.constant 0 : i32
      %dma_start3A_249 = tpu.memref_slice %arg2[%dma_start3A_247, %dma_start3A_248] : memref<101024x64xf32, #tpu.memory_space<hbm>> -> memref<101024x64xf32, #tpu.memory_space<hbm>>
      tpu.enqueue_indirect_dma source(%dma_start3A_249 : memref<101024x64xf32, #tpu.memory_space<hbm>>) target(%dma_start3A_241 : memref<640x64xf32, #tpu.memory_space<vmem>>) offsets(%dma_start3A_246 : memref<640xi32, #tpu.memory_space<vmem>>) semaphore(%arg9 : memref<!tpu.dma_semaphore, #tpu.memory_space<semaphore_mem>>)
      %dma_wait3A_250 = arith.constant 1 : i32
      %dma_wait3A_251 = arith.constant 1 : i32
      %dma_wait3A_252 = arith.constant 0 : i32
      %dma_wait3A_253 = arith.constant 0 : i32
      %dma_wait3A_254 = tpu.memref_slice %arg6[%dma_wait3A_251, %dma_wait3A_252, %dma_wait3A_253] : memref<2x640x64xf32, #tpu.memory_space<vmem>> -> memref<1x640x64xf32, #tpu.memory_space<vmem>>
      %dma_wait3A_255 = tpu.memref_squeeze %dma_wait3A_254 : memref<1x640x64xf32, #tpu.memory_space<vmem>> -> memref<640x64xf32, #tpu.memory_space<vmem>>
      %dma_wait3A_256 = arith.constant 0 : i32
      %dma_wait3A_257 = arith.constant 0 : i32
      %dma_wait3A_258 = tpu.memref_slice %dma_wait3A_255[%dma_wait3A_256, %dma_wait3A_257] : memref<640x64xf32, #tpu.memory_space<vmem>> -> memref<640x64xf32, #tpu.memory_space<vmem>>
      %dma_wait3A_259 = arith.constant 0 : i32
      %dma_wait3A_260 = tpu.memref_slice %arg5[%dma_wait3A_250, %dma_wait3A_259] : memref<2x640xi32, #tpu.memory_space<vmem>> -> memref<1x640xi32, #tpu.memory_space<vmem>>
      %dma_wait3A_261 = tpu.memref_squeeze %dma_wait3A_260 : memref<1x640xi32, #tpu.memory_space<vmem>> -> memref<640xi32, #tpu.memory_space<vmem>>
      %dma_wait3A_262 = arith.constant 0 : i32
      %dma_wait3A_263 = tpu.memref_slice %dma_wait3A_261[%dma_wait3A_262] : memref<640xi32, #tpu.memory_space<vmem>> -> memref<640xi32, #tpu.memory_space<vmem>>
      %dma_wait3A_264 = arith.constant 0 : i32
      %dma_wait3A_265 = arith.constant 0 : i32
      %dma_wait3A_266 = tpu.memref_slice %arg2[%dma_wait3A_264, %dma_wait3A_265] : memref<101024x64xf32, #tpu.memory_space<hbm>> -> memref<101024x64xf32, #tpu.memory_space<hbm>>
      tpu.wait_indirect_dma semaphore(%arg10 : memref<!tpu.dma_semaphore, #tpu.memory_space<semaphore_mem>>) src(%dma_wait3A_266 : memref<101024x64xf32, #tpu.memory_space<hbm>>) dst(%dma_wait3A_258 : memref<640x64xf32, #tpu.memory_space<vmem>>)
      %sub3A_267 = arith.constant 1 : i32
      %sub3A_268 = arith.subi %add3A_203, %sub3A_267 : i32
      %mul3A_269 = arith.constant 640 : i32
      %mul3A_270 = arith.muli %sub3A_268, %mul3A_269 : i32
      %add3A_271 = arith.addi %mul3A_2, %mul3A_270 : i32
      %dma_start3A_272 = arith.constant 1 : i32
      %dma_start3A_273 = arith.constant 0 : i32
      %dma_start3A_274 = arith.constant 0 : i32
      %dma_start3A_275 = tpu.memref_slice %arg6[%dma_start3A_272, %dma_start3A_273, %dma_start3A_274] : memref<2x640x64xf32, #tpu.memory_space<vmem>> -> memref<1x640x64xf32, #tpu.memory_space<vmem>>
      %dma_start3A_276 = tpu.memref_squeeze %dma_start3A_275 : memref<1x640x64xf32, #tpu.memory_space<vmem>> -> memref<640x64xf32, #tpu.memory_space<vmem>>
      %dma_start3A_277 = arith.constant 0 : i32
      %dma_start3A_278 = tpu.memref_slice %arg4[%add3A_271, %dma_start3A_277] : memref<819200x64xf32, #tpu.memory_space<hbm>> -> memref<640x64xf32, #tpu.memory_space<hbm>>
      %dma_start3A_279 = arith.constant 0 : i32
      %dma_start3A_280 = tpu.memref_slice %arg4[%add3A_271, %dma_start3A_279] : memref<819200x64xf32, #tpu.memory_space<hbm>> -> memref<640x64xf32, #tpu.memory_space<hbm>>
      %dma_start3A_281 = arith.constant 0 : i32
      %dma_start3A_282 = arith.constant 0 : i32
      %dma_start3A_283 = tpu.memref_slice %arg6[%dma_start3A_272, %dma_start3A_281, %dma_start3A_282] : memref<2x640x64xf32, #tpu.memory_space<vmem>> -> memref<1x640x64xf32, #tpu.memory_space<vmem>>
      %dma_start3A_284 = tpu.memref_squeeze %dma_start3A_283 : memref<1x640x64xf32, #tpu.memory_space<vmem>> -> memref<640x64xf32, #tpu.memory_space<vmem>>
      tpu.enqueue_dma source(%dma_start3A_284 : memref<640x64xf32, #tpu.memory_space<vmem>>) target(%dma_start3A_280 : memref<640x64xf32, #tpu.memory_space<hbm>>) target_semaphore(%arg12 : memref<!tpu.dma_semaphore, #tpu.memory_space<semaphore_mem>>)
      %add3A_285 = arith.constant 1 : i32
      %add3A_286 = arith.addi %add3A_203, %add3A_285 : i32
      %eq3A = arith.constant 40 : i32
      %eq3A_287 = arith.cmpi eq, %add3A_286, %eq3A : i32
      %jit3A = arith.constant 0 : i32
      %select_n3A = arith.select %eq3A_287, %jit3A, %add3A_286 : i32
      %mul3A_288 = arith.constant 640 : i32
      %mul3A_289 = arith.muli %select_n3A, %mul3A_288 : i32
      %add3A_290 = arith.addi %mul3A_2, %mul3A_289 : i32
      %dma_start3A_291 = arith.constant 1 : i32
      %dma_start3A_292 = arith.constant 0 : i32
      %dma_start3A_293 = tpu.memref_slice %arg5[%dma_start3A_291, %dma_start3A_292] : memref<2x640xi32, #tpu.memory_space<vmem>> -> memref<1x640xi32, #tpu.memory_space<vmem>>
      %dma_start3A_294 = tpu.memref_squeeze %dma_start3A_293 : memref<1x640xi32, #tpu.memory_space<vmem>> -> memref<640xi32, #tpu.memory_space<vmem>>
      %dma_start3A_295 = tpu.memref_slice %arg3[%add3A_290] : memref<819200xi32, #tpu.memory_space<hbm>> -> memref<640xi32, #tpu.memory_space<hbm>>
      %dma_start3A_296 = arith.constant 0 : i32
      %dma_start3A_297 = tpu.memref_slice %arg5[%dma_start3A_291, %dma_start3A_296] : memref<2x640xi32, #tpu.memory_space<vmem>> -> memref<1x640xi32, #tpu.memory_space<vmem>>
      %dma_start3A_298 = tpu.memref_squeeze %dma_start3A_297 : memref<1x640xi32, #tpu.memory_space<vmem>> -> memref<640xi32, #tpu.memory_space<vmem>>
      %dma_start3A_299 = tpu.memref_slice %arg3[%add3A_290] : memref<819200xi32, #tpu.memory_space<hbm>> -> memref<640xi32, #tpu.memory_space<hbm>>
      tpu.enqueue_dma source(%dma_start3A_299 : memref<640xi32, #tpu.memory_space<hbm>>) target(%dma_start3A_298 : memref<640xi32, #tpu.memory_space<vmem>>) target_semaphore(%arg8 : memref<!tpu.dma_semaphore, #tpu.memory_space<semaphore_mem>>)
      %mul3A_300 = arith.constant 2 : i32
      %mul3A_301 = arith.muli %mul3A_300, %scan3A_199 : i32
      %add3A_302 = arith.constant 1 : i32
      %add3A_303 = arith.addi %mul3A_301, %add3A_302 : i32
      %mul3A_304 = arith.constant 640 : i32
      %mul3A_305 = arith.muli %add3A_303, %mul3A_304 : i32
      %add3A_306 = arith.addi %mul3A_2, %mul3A_305 : i32
      %dma_wait3A_307 = arith.constant 1 : i32
      %dma_wait3A_308 = arith.constant 0 : i32
      %dma_wait3A_309 = tpu.memref_slice %arg5[%dma_wait3A_307, %dma_wait3A_308] : memref<2x640xi32, #tpu.memory_space<vmem>> -> memref<1x640xi32, #tpu.memory_space<vmem>>
      %dma_wait3A_310 = tpu.memref_squeeze %dma_wait3A_309 : memref<1x640xi32, #tpu.memory_space<vmem>> -> memref<640xi32, #tpu.memory_space<vmem>>
      %dma_wait3A_311 = tpu.memref_slice %arg3[%add3A_306] : memref<819200xi32, #tpu.memory_space<hbm>> -> memref<640xi32, #tpu.memory_space<hbm>>
      %dma_wait3A_312 = arith.constant 0 : i32
      %dma_wait3A_313 = tpu.memref_slice %arg5[%dma_wait3A_307, %dma_wait3A_312] : memref<2x640xi32, #tpu.memory_space<vmem>> -> memref<1x640xi32, #tpu.memory_space<vmem>>
      %dma_wait3A_314 = tpu.memref_squeeze %dma_wait3A_313 : memref<1x640xi32, #tpu.memory_space<vmem>> -> memref<640xi32, #tpu.memory_space<vmem>>
      %dma_wait3A_315 = tpu.memref_slice %arg3[%add3A_306] : memref<819200xi32, #tpu.memory_space<hbm>> -> memref<640xi32, #tpu.memory_space<hbm>>
      tpu.wait_dma2 semaphore(%arg8 : memref<!tpu.dma_semaphore, #tpu.memory_space<semaphore_mem>>) src(%dma_wait3A_315 : memref<640xi32, #tpu.memory_space<hbm>>) dst(%dma_wait3A_314 : memref<640xi32, #tpu.memory_space<vmem>>)
      %sub3A_316 = arith.constant 2 : i32
      %sub3A_317 = arith.subi %add3A_303, %sub3A_316 : i32
      %mul3A_318 = arith.constant 640 : i32
      %mul3A_319 = arith.muli %sub3A_317, %mul3A_318 : i32
      %add3A_320 = arith.addi %mul3A_2, %mul3A_319 : i32
      %dma_wait3A_321 = arith.constant 1 : i32
      %dma_wait3A_322 = arith.constant 0 : i32
      %dma_wait3A_323 = arith.constant 0 : i32
      %dma_wait3A_324 = tpu.memref_slice %arg6[%dma_wait3A_321, %dma_wait3A_322, %dma_wait3A_323] : memref<2x640x64xf32, #tpu.memory_space<vmem>> -> memref<1x640x64xf32, #tpu.memory_space<vmem>>
      %dma_wait3A_325 = tpu.memref_squeeze %dma_wait3A_324 : memref<1x640x64xf32, #tpu.memory_space<vmem>> -> memref<640x64xf32, #tpu.memory_space<vmem>>
      %dma_wait3A_326 = arith.constant 0 : i32
      %dma_wait3A_327 = tpu.memref_slice %arg4[%add3A_320, %dma_wait3A_326] : memref<819200x64xf32, #tpu.memory_space<hbm>> -> memref<640x64xf32, #tpu.memory_space<hbm>>
      %dma_wait3A_328 = arith.constant 0 : i32
      %dma_wait3A_329 = tpu.memref_slice %arg4[%add3A_320, %dma_wait3A_328] : memref<819200x64xf32, #tpu.memory_space<hbm>> -> memref<640x64xf32, #tpu.memory_space<hbm>>
      %dma_wait3A_330 = arith.constant 0 : i32
      %dma_wait3A_331 = arith.constant 0 : i32
      %dma_wait3A_332 = tpu.memref_slice %arg6[%dma_wait3A_321, %dma_wait3A_330, %dma_wait3A_331] : memref<2x640x64xf32, #tpu.memory_space<vmem>> -> memref<1x640x64xf32, #tpu.memory_space<vmem>>
      %dma_wait3A_333 = tpu.memref_squeeze %dma_wait3A_332 : memref<1x640x64xf32, #tpu.memory_space<vmem>> -> memref<640x64xf32, #tpu.memory_space<vmem>>
      tpu.wait_dma2 semaphore(%arg12 : memref<!tpu.dma_semaphore, #tpu.memory_space<semaphore_mem>>) src(%dma_wait3A_333 : memref<640x64xf32, #tpu.memory_space<vmem>>) dst(%dma_wait3A_329 : memref<640x64xf32, #tpu.memory_space<hbm>>)
      %dma_start3A_334 = arith.constant 1 : i32
      %dma_start3A_335 = arith.constant 1 : i32
      %dma_start3A_336 = arith.constant 0 : i32
      %dma_start3A_337 = arith.constant 0 : i32
      %dma_start3A_338 = tpu.memref_slice %arg6[%dma_start3A_335, %dma_start3A_336, %dma_start3A_337] : memref<2x640x64xf32, #tpu.memory_space<vmem>> -> memref<1x640x64xf32, #tpu.memory_space<vmem>>
      %dma_start3A_339 = tpu.memref_squeeze %dma_start3A_338 : memref<1x640x64xf32, #tpu.memory_space<vmem>> -> memref<640x64xf32, #tpu.memory_space<vmem>>
      %dma_start3A_340 = arith.constant 0 : i32
      %dma_start3A_341 = arith.constant 0 : i32
      %dma_start3A_342 = tpu.memref_slice %dma_start3A_339[%dma_start3A_340, %dma_start3A_341] : memref<640x64xf32, #tpu.memory_space<vmem>> -> memref<640x64xf32, #tpu.memory_space<vmem>>
      %dma_start3A_343 = arith.constant 0 : i32
      %dma_start3A_344 = tpu.memref_slice %arg5[%dma_start3A_334, %dma_start3A_343] : memref<2x640xi32, #tpu.memory_space<vmem>> -> memref<1x640xi32, #tpu.memory_space<vmem>>
      %dma_start3A_345 = tpu.memref_squeeze %dma_start3A_344 : memref<1x640xi32, #tpu.memory_space<vmem>> -> memref<640xi32, #tpu.memory_space<vmem>>
      %dma_start3A_346 = arith.constant 0 : i32
      %dma_start3A_347 = tpu.memref_slice %dma_start3A_345[%dma_start3A_346] : memref<640xi32, #tpu.memory_space<vmem>> -> memref<640xi32, #tpu.memory_space<vmem>>
      %dma_start3A_348 = arith.constant 0 : i32
      %dma_start3A_349 = arith.constant 0 : i32
      %dma_start3A_350 = tpu.memref_slice %arg2[%dma_start3A_348, %dma_start3A_349] : memref<101024x64xf32, #tpu.memory_space<hbm>> -> memref<101024x64xf32, #tpu.memory_space<hbm>>
      tpu.enqueue_indirect_dma source(%dma_start3A_350 : memref<101024x64xf32, #tpu.memory_space<hbm>>) target(%dma_start3A_342 : memref<640x64xf32, #tpu.memory_space<vmem>>) offsets(%dma_start3A_347 : memref<640xi32, #tpu.memory_space<vmem>>) semaphore(%arg10 : memref<!tpu.dma_semaphore, #tpu.memory_space<semaphore_mem>>)
      %dma_wait3A_351 = arith.constant 0 : i32
      %dma_wait3A_352 = arith.constant 0 : i32
      %dma_wait3A_353 = arith.constant 0 : i32
      %dma_wait3A_354 = arith.constant 0 : i32
      %dma_wait3A_355 = tpu.memref_slice %arg6[%dma_wait3A_352, %dma_wait3A_353, %dma_wait3A_354] : memref<2x640x64xf32, #tpu.memory_space<vmem>> -> memref<1x640x64xf32, #tpu.memory_space<vmem>>
      %dma_wait3A_356 = tpu.memref_squeeze %dma_wait3A_355 : memref<1x640x64xf32, #tpu.memory_space<vmem>> -> memref<640x64xf32, #tpu.memory_space<vmem>>
      %dma_wait3A_357 = arith.constant 0 : i32
      %dma_wait3A_358 = arith.constant 0 : i32
      %dma_wait3A_359 = tpu.memref_slice %dma_wait3A_356[%dma_wait3A_357, %dma_wait3A_358] : memref<640x64xf32, #tpu.memory_space<vmem>> -> memref<640x64xf32, #tpu.memory_space<vmem>>
      %dma_wait3A_360 = arith.constant 0 : i32
      %dma_wait3A_361 = tpu.memref_slice %arg5[%dma_wait3A_351, %dma_wait3A_360] : memref<2x640xi32, #tpu.memory_space<vmem>> -> memref<1x640xi32, #tpu.memory_space<vmem>>
      %dma_wait3A_362 = tpu.memref_squeeze %dma_wait3A_361 : memref<1x640xi32, #tpu.memory_space<vmem>> -> memref<640xi32, #tpu.memory_space<vmem>>
      %dma_wait3A_363 = arith.constant 0 : i32
      %dma_wait3A_364 = tpu.memref_slice %dma_wait3A_362[%dma_wait3A_363] : memref<640xi32, #tpu.memory_space<vmem>> -> memref<640xi32, #tpu.memory_space<vmem>>
      %dma_wait3A_365 = arith.constant 0 : i32
      %dma_wait3A_366 = arith.constant 0 : i32
      %dma_wait3A_367 = tpu.memref_slice %arg2[%dma_wait3A_365, %dma_wait3A_366] : memref<101024x64xf32, #tpu.memory_space<hbm>> -> memref<101024x64xf32, #tpu.memory_space<hbm>>
      tpu.wait_indirect_dma semaphore(%arg9 : memref<!tpu.dma_semaphore, #tpu.memory_space<semaphore_mem>>) src(%dma_wait3A_367 : memref<101024x64xf32, #tpu.memory_space<hbm>>) dst(%dma_wait3A_359 : memref<640x64xf32, #tpu.memory_space<vmem>>)
      %sub3A_368 = arith.constant 1 : i32
      %sub3A_369 = arith.subi %add3A_303, %sub3A_368 : i32
      %mul3A_370 = arith.constant 640 : i32
      %mul3A_371 = arith.muli %sub3A_369, %mul3A_370 : i32
      %add3A_372 = arith.addi %mul3A_2, %mul3A_371 : i32
      %dma_start3A_373 = arith.constant 0 : i32
      %dma_start3A_374 = arith.constant 0 : i32
      %dma_start3A_375 = arith.constant 0 : i32
      %dma_start3A_376 = tpu.memref_slice %arg6[%dma_start3A_373, %dma_start3A_374, %dma_start3A_375] : memref<2x640x64xf32, #tpu.memory_space<vmem>> -> memref<1x640x64xf32, #tpu.memory_space<vmem>>
      %dma_start3A_377 = tpu.memref_squeeze %dma_start3A_376 : memref<1x640x64xf32, #tpu.memory_space<vmem>> -> memref<640x64xf32, #tpu.memory_space<vmem>>
      %dma_start3A_378 = arith.constant 0 : i32
      %dma_start3A_379 = tpu.memref_slice %arg4[%add3A_372, %dma_start3A_378] : memref<819200x64xf32, #tpu.memory_space<hbm>> -> memref<640x64xf32, #tpu.memory_space<hbm>>
      %dma_start3A_380 = arith.constant 0 : i32
      %dma_start3A_381 = tpu.memref_slice %arg4[%add3A_372, %dma_start3A_380] : memref<819200x64xf32, #tpu.memory_space<hbm>> -> memref<640x64xf32, #tpu.memory_space<hbm>>
      %dma_start3A_382 = arith.constant 0 : i32
      %dma_start3A_383 = arith.constant 0 : i32
      %dma_start3A_384 = tpu.memref_slice %arg6[%dma_start3A_373, %dma_start3A_382, %dma_start3A_383] : memref<2x640x64xf32, #tpu.memory_space<vmem>> -> memref<1x640x64xf32, #tpu.memory_space<vmem>>
      %dma_start3A_385 = tpu.memref_squeeze %dma_start3A_384 : memref<1x640x64xf32, #tpu.memory_space<vmem>> -> memref<640x64xf32, #tpu.memory_space<vmem>>
      tpu.enqueue_dma source(%dma_start3A_385 : memref<640x64xf32, #tpu.memory_space<vmem>>) target(%dma_start3A_381 : memref<640x64xf32, #tpu.memory_space<hbm>>) target_semaphore(%arg11 : memref<!tpu.dma_semaphore, #tpu.memory_space<semaphore_mem>>)
      %add3A_386 = arith.constant 1 : i32
      %add3A_387 = arith.addi %add3A_303, %add3A_386 : i32
      %eq3A_388 = arith.constant 40 : i32
      %eq3A_389 = arith.cmpi eq, %add3A_387, %eq3A_388 : i32
      %jit3A_390 = arith.constant 0 : i32
      %select_n3A_391 = arith.select %eq3A_389, %jit3A_390, %add3A_387 : i32
      %mul3A_392 = arith.constant 640 : i32
      %mul3A_393 = arith.muli %select_n3A_391, %mul3A_392 : i32
      %add3A_394 = arith.addi %mul3A_2, %mul3A_393 : i32
      %dma_start3A_395 = arith.constant 0 : i32
      %dma_start3A_396 = arith.constant 0 : i32
      %dma_start3A_397 = tpu.memref_slice %arg5[%dma_start3A_395, %dma_start3A_396] : memref<2x640xi32, #tpu.memory_space<vmem>> -> memref<1x640xi32, #tpu.memory_space<vmem>>
      %dma_start3A_398 = tpu.memref_squeeze %dma_start3A_397 : memref<1x640xi32, #tpu.memory_space<vmem>> -> memref<640xi32, #tpu.memory_space<vmem>>
      %dma_start3A_399 = tpu.memref_slice %arg3[%add3A_394] : memref<819200xi32, #tpu.memory_space<hbm>> -> memref<640xi32, #tpu.memory_space<hbm>>
      %dma_start3A_400 = arith.constant 0 : i32
      %dma_start3A_401 = tpu.memref_slice %arg5[%dma_start3A_395, %dma_start3A_400] : memref<2x640xi32, #tpu.memory_space<vmem>> -> memref<1x640xi32, #tpu.memory_space<vmem>>
      %dma_start3A_402 = tpu.memref_squeeze %dma_start3A_401 : memref<1x640xi32, #tpu.memory_space<vmem>> -> memref<640xi32, #tpu.memory_space<vmem>>
      %dma_start3A_403 = tpu.memref_slice %arg3[%add3A_394] : memref<819200xi32, #tpu.memory_space<hbm>> -> memref<640xi32, #tpu.memory_space<hbm>>
      tpu.enqueue_dma source(%dma_start3A_403 : memref<640xi32, #tpu.memory_space<hbm>>) target(%dma_start3A_402 : memref<640xi32, #tpu.memory_space<vmem>>) target_semaphore(%arg7 : memref<!tpu.dma_semaphore, #tpu.memory_space<semaphore_mem>>)
    }
    %scan3A_125 = arith.constant 19 : i32
    %dma_wait3A_126 = arith.constant 1 : i32
    %dma_wait3A_127 = arith.constant 1 : i32
    %dma_wait3A_128 = arith.constant 0 : i32
    %dma_wait3A_129 = arith.constant 0 : i32
    %dma_wait3A_130 = tpu.memref_slice %arg6[%dma_wait3A_127, %dma_wait3A_128, %dma_wait3A_129] : memref<2x640x64xf32, #tpu.memory_space<vmem>> -> memref<1x640x64xf32, #tpu.memory_space<vmem>>
    %dma_wait3A_131 = tpu.memref_squeeze %dma_wait3A_130 : memref<1x640x64xf32, #tpu.memory_space<vmem>> -> memref<640x64xf32, #tpu.memory_space<vmem>>
    %dma_wait3A_132 = arith.constant 0 : i32
    %dma_wait3A_133 = arith.constant 0 : i32
    %dma_wait3A_134 = tpu.memref_slice %dma_wait3A_131[%dma_wait3A_132, %dma_wait3A_133] : memref<640x64xf32, #tpu.memory_space<vmem>> -> memref<640x64xf32, #tpu.memory_space<vmem>>
    %dma_wait3A_135 = arith.constant 0 : i32
    %dma_wait3A_136 = tpu.memref_slice %arg5[%dma_wait3A_126, %dma_wait3A_135] : memref<2x640xi32, #tpu.memory_space<vmem>> -> memref<1x640xi32, #tpu.memory_space<vmem>>
    %dma_wait3A_137 = tpu.memref_squeeze %dma_wait3A_136 : memref<1x640xi32, #tpu.memory_space<vmem>> -> memref<640xi32, #tpu.memory_space<vmem>>
    %dma_wait3A_138 = arith.constant 0 : i32
    %dma_wait3A_139 = tpu.memref_slice %dma_wait3A_137[%dma_wait3A_138] : memref<640xi32, #tpu.memory_space<vmem>> -> memref<640xi32, #tpu.memory_space<vmem>>
    %dma_wait3A_140 = arith.constant 0 : i32
    %dma_wait3A_141 = arith.constant 0 : i32
    %dma_wait3A_142 = tpu.memref_slice %arg2[%dma_wait3A_140, %dma_wait3A_141] : memref<101024x64xf32, #tpu.memory_space<hbm>> -> memref<101024x64xf32, #tpu.memory_space<hbm>>
    tpu.wait_indirect_dma semaphore(%arg10 : memref<!tpu.dma_semaphore, #tpu.memory_space<semaphore_mem>>) src(%dma_wait3A_142 : memref<101024x64xf32, #tpu.memory_space<hbm>>) dst(%dma_wait3A_134 : memref<640x64xf32, #tpu.memory_space<vmem>>)
    %add3A_143 = arith.constant 24960 : i32
    %add3A_144 = arith.addi %mul3A_2, %add3A_143 : i32
    %dma_start3A_145 = arith.constant 1 : i32
    %dma_start3A_146 = arith.constant 0 : i32
    %dma_start3A_147 = arith.constant 0 : i32
    %dma_start3A_148 = tpu.memref_slice %arg6[%dma_start3A_145, %dma_start3A_146, %dma_start3A_147] : memref<2x640x64xf32, #tpu.memory_space<vmem>> -> memref<1x640x64xf32, #tpu.memory_space<vmem>>
    %dma_start3A_149 = tpu.memref_squeeze %dma_start3A_148 : memref<1x640x64xf32, #tpu.memory_space<vmem>> -> memref<640x64xf32, #tpu.memory_space<vmem>>
    %dma_start3A_150 = arith.constant 0 : i32
    %dma_start3A_151 = tpu.memref_slice %arg4[%add3A_144, %dma_start3A_150] : memref<819200x64xf32, #tpu.memory_space<hbm>> -> memref<640x64xf32, #tpu.memory_space<hbm>>
    %dma_start3A_152 = arith.constant 0 : i32
    %dma_start3A_153 = tpu.memref_slice %arg4[%add3A_144, %dma_start3A_152] : memref<819200x64xf32, #tpu.memory_space<hbm>> -> memref<640x64xf32, #tpu.memory_space<hbm>>
    %dma_start3A_154 = arith.constant 0 : i32
    %dma_start3A_155 = arith.constant 0 : i32
    %dma_start3A_156 = tpu.memref_slice %arg6[%dma_start3A_145, %dma_start3A_154, %dma_start3A_155] : memref<2x640x64xf32, #tpu.memory_space<vmem>> -> memref<1x640x64xf32, #tpu.memory_space<vmem>>
    %dma_start3A_157 = tpu.memref_squeeze %dma_start3A_156 : memref<1x640x64xf32, #tpu.memory_space<vmem>> -> memref<640x64xf32, #tpu.memory_space<vmem>>
    tpu.enqueue_dma source(%dma_start3A_157 : memref<640x64xf32, #tpu.memory_space<vmem>>) target(%dma_start3A_153 : memref<640x64xf32, #tpu.memory_space<hbm>>) target_semaphore(%arg12 : memref<!tpu.dma_semaphore, #tpu.memory_space<semaphore_mem>>)
    %add3A_158 = arith.constant 24320 : i32
    %add3A_159 = arith.addi %mul3A_2, %add3A_158 : i32
    %dma_wait3A_160 = arith.constant 0 : i32
    %dma_wait3A_161 = arith.constant 0 : i32
    %dma_wait3A_162 = arith.constant 0 : i32
    %dma_wait3A_163 = tpu.memref_slice %arg6[%dma_wait3A_160, %dma_wait3A_161, %dma_wait3A_162] : memref<2x640x64xf32, #tpu.memory_space<vmem>> -> memref<1x640x64xf32, #tpu.memory_space<vmem>>
    %dma_wait3A_164 = tpu.memref_squeeze %dma_wait3A_163 : memref<1x640x64xf32, #tpu.memory_space<vmem>> -> memref<640x64xf32, #tpu.memory_space<vmem>>
    %dma_wait3A_165 = arith.constant 0 : i32
    %dma_wait3A_166 = tpu.memref_slice %arg4[%add3A_159, %dma_wait3A_165] : memref<819200x64xf32, #tpu.memory_space<hbm>> -> memref<640x64xf32, #tpu.memory_space<hbm>>
    %dma_wait3A_167 = arith.constant 0 : i32
    %dma_wait3A_168 = tpu.memref_slice %arg4[%add3A_159, %dma_wait3A_167] : memref<819200x64xf32, #tpu.memory_space<hbm>> -> memref<640x64xf32, #tpu.memory_space<hbm>>
    %dma_wait3A_169 = arith.constant 0 : i32
    %dma_wait3A_170 = arith.constant 0 : i32
    %dma_wait3A_171 = tpu.memref_slice %arg6[%dma_wait3A_160, %dma_wait3A_169, %dma_wait3A_170] : memref<2x640x64xf32, #tpu.memory_space<vmem>> -> memref<1x640x64xf32, #tpu.memory_space<vmem>>
    %dma_wait3A_172 = tpu.memref_squeeze %dma_wait3A_171 : memref<1x640x64xf32, #tpu.memory_space<vmem>> -> memref<640x64xf32, #tpu.memory_space<vmem>>
    tpu.wait_dma2 semaphore(%arg11 : memref<!tpu.dma_semaphore, #tpu.memory_space<semaphore_mem>>) src(%dma_wait3A_172 : memref<640x64xf32, #tpu.memory_space<vmem>>) dst(%dma_wait3A_168 : memref<640x64xf32, #tpu.memory_space<hbm>>)
    %add3A_173 = arith.constant 24960 : i32
    %add3A_174 = arith.addi %mul3A_2, %add3A_173 : i32
    %dma_wait3A_175 = arith.constant 1 : i32
    %dma_wait3A_176 = arith.constant 0 : i32
    %dma_wait3A_177 = arith.constant 0 : i32
    %dma_wait3A_178 = tpu.memref_slice %arg6[%dma_wait3A_175, %dma_wait3A_176, %dma_wait3A_177] : memref<2x640x64xf32, #tpu.memory_space<vmem>> -> memref<1x640x64xf32, #tpu.memory_space<vmem>>
    %dma_wait3A_179 = tpu.memref_squeeze %dma_wait3A_178 : memref<1x640x64xf32, #tpu.memory_space<vmem>> -> memref<640x64xf32, #tpu.memory_space<vmem>>
    %dma_wait3A_180 = arith.constant 0 : i32
    %dma_wait3A_181 = tpu.memref_slice %arg4[%add3A_174, %dma_wait3A_180] : memref<819200x64xf32, #tpu.memory_space<hbm>> -> memref<640x64xf32, #tpu.memory_space<hbm>>
    %dma_wait3A_182 = arith.constant 0 : i32
    %dma_wait3A_183 = tpu.memref_slice %arg4[%add3A_174, %dma_wait3A_182] : memref<819200x64xf32, #tpu.memory_space<hbm>> -> memref<640x64xf32, #tpu.memory_space<hbm>>
    %dma_wait3A_184 = arith.constant 0 : i32
    %dma_wait3A_185 = arith.constant 0 : i32
    %dma_wait3A_186 = tpu.memref_slice %arg6[%dma_wait3A_175, %dma_wait3A_184, %dma_wait3A_185] : memref<2x640x64xf32, #tpu.memory_space<vmem>> -> memref<1x640x64xf32, #tpu.memory_space<vmem>>
    %dma_wait3A_187 = tpu.memref_squeeze %dma_wait3A_186 : memref<1x640x64xf32, #tpu.memory_space<vmem>> -> memref<640x64xf32, #tpu.memory_space<vmem>>
    tpu.wait_dma2 semaphore(%arg12 : memref<!tpu.dma_semaphore, #tpu.memory_space<semaphore_mem>>) src(%dma_wait3A_187 : memref<640x64xf32, #tpu.memory_space<vmem>>) dst(%dma_wait3A_183 : memref<640x64xf32, #tpu.memory_space<hbm>>)
    %add3A_188 = arith.constant 0 : i32
    %add3A_189 = arith.addi %mul3A_2, %add3A_188 : i32
    %dma_wait3A_190 = arith.constant 0 : i32
    %dma_wait3A_191 = arith.constant 0 : i32
    %dma_wait3A_192 = tpu.memref_slice %arg5[%dma_wait3A_190, %dma_wait3A_191] : memref<2x640xi32, #tpu.memory_space<vmem>> -> memref<1x640xi32, #tpu.memory_space<vmem>>
    %dma_wait3A_193 = tpu.memref_squeeze %dma_wait3A_192 : memref<1x640xi32, #tpu.memory_space<vmem>> -> memref<640xi32, #tpu.memory_space<vmem>>
    %dma_wait3A_194 = tpu.memref_slice %arg3[%add3A_189] : memref<819200xi32, #tpu.memory_space<hbm>> -> memref<640xi32, #tpu.memory_space<hbm>>
    %dma_wait3A_195 = arith.constant 0 : i32
    %dma_wait3A_196 = tpu.memref_slice %arg5[%dma_wait3A_190, %dma_wait3A_195] : memref<2x640xi32, #tpu.memory_space<vmem>> -> memref<1x640xi32, #tpu.memory_space<vmem>>
    %dma_wait3A_197 = tpu.memref_squeeze %dma_wait3A_196 : memref<1x640xi32, #tpu.memory_space<vmem>> -> memref<640xi32, #tpu.memory_space<vmem>>
    %dma_wait3A_198 = tpu.memref_slice %arg3[%add3A_189] : memref<819200xi32, #tpu.memory_space<hbm>> -> memref<640xi32, #tpu.memory_space<hbm>>
    tpu.wait_dma2 semaphore(%arg7 : memref<!tpu.dma_semaphore, #tpu.memory_space<semaphore_mem>>) src(%dma_wait3A_198 : memref<640xi32, #tpu.memory_space<hbm>>) dst(%dma_wait3A_197 : memref<640xi32, #tpu.memory_space<vmem>>)
    return
  }
}

</mosaic_0001>

<sc_bundles>
// kernel: _impl.3.cloned.1.call-start
scs
__scs_entry_jumppad:
0x0: {  	(pc) =	sbr.rel $0x88, $3  }
0x1: {  	(tag) =	ssettag $0x0;
	lr =	simm.s32 $0x1  }
0x2: {  	[smem:$0x3F9E] =	sst lr;
	_ =	strace $0xD0000000  }
0x3: {  	_ = 	snop  }
0x4: {  	_ = 	snop  }
0x5: {  	_ = 	snop  }
0x6: {  	_ = 	snop  }
0x7: {  	_ = 	snop  }
__scs_overlays_trampoline_lowered:
0x8: {  	[smem:$0x3FAD] =	sst s0  }
0x9: {  	[smem:$0x3FAE] =	sst s1  }
0xa: {  	[smem:$0x3FAF] =	sst s2  }
0xb: {  	[smem:$0x3FB0] =	sst s3  }
0xc: {  	[smem:$0x3FB1] =	sst s4  }
0xd: {  	[smem:$0x3FB2] =	sst s5  }
0xe: {  	[smem:$0x3FB3] =	sst s6  }
0xf: {  	[smem:$0x3FB4] =	sst s7  }
0x10: {  	[smem:$0x3FB5] =	sst s8  }
0x11: {  	[smem:$0x3FB6] =	sst s9;
	s0 =	simm.s32 @!p0 $0x0  }
0x12: {  	s1 =	sld [smem:$0x3F9C];
	s0 =	simm.s32 @p0 $0x1  }
0x13: {  	[smem:$0x3FB7] =	sst s0;
	s0 =	simm.s32 @!p1 $0x0  }
0x14: {  	s2 =	sld [smem:$0x3F9B];
	s0 =	simm.s32 @p1 $0x1  }
0x15: {  	[smem:$0x3FB8] =	sst s0;
	s0 =	simm.s32 @!p2 $0x0  }
0x16: {  	s3 =	sld [smem:$0x3FDB];
	s0 =	simm.s32 @p2 $0x1  }
0x17: {  	s4 =	simm.s32 $0x1BF5;
	[smem:$0x3FBA] =	sst s0  }
0x18: {  	s0 =	sld [smem:$0x3F9D];
	_ =	swait.ge [sflag:s4], $0x0  }
0x19: {  	s7 =	sld [smem:$0x3F9E]  }
0x1a: {  	s8 =	sadd.s32 $0xFFFFE003, lr  }
0x1b: {  	s9 =	sadd.s32 $0xFFFFFEF7, lr;
	s5 =	simm.s32 $0xFFFFFFFF;
	p2 =	slt.u32 s8, $0xFFFFF086  }
0x1c: {  	p1 =	slt.u32 s9, $0xF7A;
	s5 =	simm.s32 @!p2 $0x0  }
0x1d: {  	s5 =	simm.s32 @p1 $0x1;
	p0 =	seq.s32 s7, s2  }
0x1e: {  	s7 =	smul.u32 @!p0 $0xF7A, s2;
	p2 =	seq.s32 @!p0 s5, $0x0  }
0x1f: {  	s9 =	smul.u32 $0xF7A, s1;
	s8 =	simm.s32 @!p0 $0x1BF5;
	p2 =	por !p2, p0  }
0x20: {  	[sflag:s8] =	ssyncset.s32 @!p0 $0xFFFFF086;
	s6 =	sadd.s32 @!p0 s3, s7;
	s7 =	simm.s32 @!p0 $0x108  }
0x21: {  	s3 =	sadd.s32 s3, s9;
	s6 =	sadd.s32 @!p0 $0x88, s6;
	s7 =	simm.s32 @p2 $0x1082  }
0x22: {  	[simem:s7], [sflag:s8] =	dma.local @!p0 [hbm:s6], $0xF7A  }
0x23: {  	s9 =	sor.u32 $0xD0000000, s2;
	s6 =	simm.s32 $0x108;
	_ =	swait.ge @!p0 [sflag:s8], $0x0  }
0x24: {  	s3 =	sadd.s32 $0x88, s3;
	s6 =	simm.s32 @!p1 $0x1082;
	[sflag:s4] =	ssyncset.s32 $0xFFFFF086  }
0x25: {  	[simem:s6], [sflag:s4] =	dma.local [hbm:s3], $0xF7A  }
0x26: {  	[smem:$0x3F9E] =	sst s1;
	(tag) =	ssettag s2;
	_ =	strace s9  }
0x27: {  	s1 =	sld [smem:$0x3FAE]  }
0x28: {  	s2 =	sld [smem:$0x3FAF]  }
0x29: {  	s4 =	sld [smem:$0x3FB1]  }
0x2a: {  	p0 =	seq.s32 s5, $0x0;
	s5 =	sld [smem:$0x3FB2]  }
0x2b: {  	s6 =	sld [smem:$0x3FB3]  }
0x2c: {  	s7 =	sld [smem:$0x3FB4]  }
0x2d: {  	s3 =	simm.s32 $0x108;
	s8 =	sld [smem:$0x3FB5]  }
0x2e: {  	s3 =	simm.s32 @!p0 $0x1082;
	s9 =	sld [smem:$0x3FB6]  }
0x2f: {  	lr =	sadd.s32 s0, s3;
	s0 =	sld [smem:$0x3FAD]  }
0x30: {  	s3 =	sld [smem:$0x3FB0]  }
0x31: {  	[smem:$0x3FB9] =	sst s10  }
0x32: {  	s10 =	sld [smem:$0x3FB7];
	_ =	sdelay $0x3  }
0x33: {  	p0 =	seq.s32 s10, $0x1;
	s10 =	sld [smem:$0x3FB9];
	_ =	sdelay $0x3  }
0x34: {  	[smem:$0x3FB9] =	sst s10  }
0x35: {  	s10 =	sld [smem:$0x3FB8];
	_ =	sdelay $0x3  }
0x36: {  	p1 =	seq.s32 s10, $0x1;
	s10 =	sld [smem:$0x3FB9];
	_ =	sdelay $0x3  }
0x37: {  	[smem:$0x3FB9] =	sst s10  }
0x38: {  	s10 =	sld [smem:$0x3FBA]  }
0x39: {  	_ = 	snop;
	(pc) =	sbr.ind lr, $3  }
0x3a: {  	_ = 	snop  }
0x3b: {  	_ = 	snop  }
0x3c: {  	p2 =	seq.s32 s10, $0x1;
	s10 =	sld [smem:$0x3FB9]  }
0x3d: {  	_ =	shalt  }
0x3e: {  	_ =	shalt  }
0x3f: {  	_ =	shalt  }
0x40: {  	_ =	shalt  }
0x41: {  	_ =	shalt  }
0x42: {  	_ =	shalt  }
0x43: {  	_ =	shalt  }
0x44: {  	_ =	shalt  }
0x45: {  	_ =	shalt  }
0x46: {  	_ =	shalt  }
0x47: {  	_ =	shalt  }
0x48: {  	_ =	shalt  }
0x49: {  	_ =	shalt  }
0x4a: {  	_ =	shalt  }
0x4b: {  	_ =	shalt  }
0x4c: {  	_ =	shalt  }
0x4d: {  	_ =	shalt  }
0x4e: {  	_ =	shalt  }
0x4f: {  	_ =	shalt  }
0x50: {  	_ =	shalt  }
0x51: {  	_ =	shalt  }
0x52: {  	_ =	shalt  }
0x53: {  	_ =	shalt  }
0x54: {  	_ =	shalt  }
0x55: {  	_ =	shalt  }
0x56: {  	_ =	shalt  }
0x57: {  	_ =	shalt  }
0x58: {  	_ =	shalt  }
0x59: {  	_ =	shalt  }
0x5a: {  	_ =	shalt  }
0x5b: {  	_ =	shalt  }
0x5c: {  	_ =	shalt  }
0x5d: {  	_ =	shalt  }
0x5e: {  	_ =	shalt  }
0x5f: {  	_ =	shalt  }
0x60: {  	_ =	shalt  }
0x61: {  	_ =	shalt  }
0x62: {  	_ =	shalt  }
0x63: {  	_ =	shalt  }
0x64: {  	_ =	shalt  }
0x65: {  	_ =	shalt  }
0x66: {  	_ =	shalt  }
0x67: {  	_ =	shalt  }
0x68: {  	_ =	shalt  }
0x69: {  	_ =	shalt  }
0x6a: {  	_ =	shalt  }
0x6b: {  	_ =	shalt  }
0x6c: {  	_ =	shalt  }
0x6d: {  	_ =	shalt  }
0x6e: {  	_ =	shalt  }
0x6f: {  	_ =	shalt  }
0x70: {  	_ =	shalt  }
0x71: {  	_ =	shalt  }
0x72: {  	_ =	shalt  }
0x73: {  	_ =	shalt  }
0x74: {  	_ =	shalt  }
0x75: {  	_ =	shalt  }
0x76: {  	_ =	shalt  }
0x77: {  	_ =	shalt  }
0x78: {  	_ =	shalt  }
0x79: {  	_ =	shalt  }
0x7a: {  	_ =	shalt  }
0x7b: {  	_ =	shalt  }
0x7c: {  	_ =	shalt  }
0x7d: {  	_ =	shalt  }
0x7e: {  	_ =	shalt  }
0x7f: {  	_ =	shalt  }
0x80: {  	_ =	shalt  }
0x81: {  	_ =	shalt  }
0x82: {  	_ =	shalt  }
0x83: {  	_ =	shalt  }
0x84: {  	_ =	shalt  }
0x85: {  	_ =	shalt  }
0x86: {  	_ =	shalt  }
0x87: {  	_ =	shalt  }
.Lfunc_end0:
.L_simem_size_0:
called_computation.1_lowered:
.L_overlay_start_0:
0x88: {  	s2 =	sld [smem:$0x3FD9]  }
0x89: {  	s3 =	sld [smem:$0x3FFE];
	_ =	sdelay $0x1  }
0x8a: {  	s1 =	srdreg.scid  }
0x8b: {  	s0 =	sand.u32 $0x1, s1  }
0x8c: {  	s17 =	sshll.u32 s0, $0xA;
	s2 =	sadd.s32 s3, s2  }
0x8d: {  	s2 =	sadd.s32 s2, s17  }
0x8e: {  	[smem:$0x3FC5] =	sst s2  }
0x8f: {  	_ = 	snop  }
0x90: {  	s2 =	sld [smem:$0x3FD0];
	(tm) =	ssettm $0x1  }
0x91: {  	s18 =	sld [smem:$0x3FFB];
	_ =	sdelay $0x3  }
0x92: {  	_ =	strace s18  }
0x93: {  	s3 =	sld [smem:$0x3FFC];
	_ =	sdelay $0x3  }
0x94: {  	_ =	strace s3  }
0x95: {  	s3 =	sld [smem:$0x3FFD];
	_ =	sdelay $0x3  }
0x96: {  	_ =	strace s3  }
0x97: {  	_ =	strace $0x8FFFFFFF  }
0x98: {  	s19 =	sld [smem:$0x3FDB];
	_ =	sdelay $0x1  }
0x99: {  	s4 =	simm.s32 $_scs_section_size  }
0x9a: {  	s5 =	simm.s32 $_size__tile_overlayer_lowered;
	s6 =	simm.s32 $_tile_overlayer_lowered  }
0x9b: {  	s22 =	simm.s32 $0x1BFF;
	s21 =	sshll.u32 s6, $0x1;
	s3 =	sadd.s32 s4, s19  }
0x9c: {  	s7 =	simm.s32 $0x0;
	s20 =	sshll.u32 s5, $0x1;
	s5 =	sadd.s32 s21, s3  }
0x9d: {  	[timem:s7], [sflag:s22] =	dma.local [hbm:s5], s20  }
0x9e: {  	_ =	swait.ge [sflag:s22], s20  }
0x9f: {  	s4 =	ssub.s32 $0x0, s20;
	[sflag:s22] =	ssyncset.done $0x0  }
0xa0: {  	[sflag:s22] =	ssyncadd.s32 s4;
	_ =	sdelay $0x1  }
0xa1: {  	s23 =	simm.s32 $0x1B8B  }
0xa2: {  	_ =	swait.ge [sflag:s23], $0x1  }
0xa3: {  	[sflag:s23] =	ssyncset.done $0x0  }
0xa4: {  	s25 =	simm.s32 $0x1B8E;
	s24 =	sld [smem:$0x3FFE];
	[sflag:s23] =	ssyncadd.s32 $0xFFFFFFFF  }
0xa5: {  	s26 =	simm.s32 $execute0_lowered;
	[smem:$0x3FD2] =	sst s25  }
0xa6: {  	s5 =	sshll.u32 s26, $0x1;
	_ =	strace $0x80000046;
	[dreg:$0x1] =	wrdreg $0xFFFFFFFF  }
0xa7: {  	s28 =	simm.s32 $_size_execute0_lowered;
	s3 =	sadd.s32 s3, s5;
	[dreg:$0x0] =	wrdreg $0x0  }
0xa8: {  	s5 =	sshll.u32 s28, $0x1;
	[dreg:$0x2] =	wrdreg s3  }
0xa9: {  	[dreg:$0x3] =	wrdreg s5  }
0xaa: {  	[dreg:$0x4] =	wrdreg $0xC0  }
0xab: {  	_ =	task [dreg:s7], $0x5FFFF  }
0xac: {  	[dreg:$0x1] =	wrdreg $0xFFFFFFFF  }
0xad: {  	[dreg:$0x0] =	wrdreg $0x60  }
0xae: {  	[dreg:$0x2] =	wrdreg s24  }
0xaf: {  	[dreg:$0x3] =	wrdreg s2  }
0xb0: {  	[dreg:$0x4] =	wrdreg $0x9  }
0xb1: {  	_ =	task.clear_ibuf [dreg:s7], $0x5FFFF;
	_ =	strace $0x90000046  }
0xb2: {  	s29 =	simm.s32 $0x9;
	_ =	strace $0x80000048  }
0xb3: {  	_ =	swait.ge [sflag:s29], $0x1  }
0xb4: {  	[sflag:s29] =	ssyncadd.s32 $0xFFFFFFFF  }
0xb5: {  	_ =	strace $0x90000048  }
0xb6: {  	_ =	sfence  }
0xb7: {  	s30 =	sld [smem:$0x0];
	_ =	sdelay $0x2  }
0xb8: {  	s31 =	sshll.u32 s1, $0xD;
	s1 =	sshrl.u32 s1, $0x2  }
0xb9: {  	s3 =	sand.u32 $0x4000, s31;
	s1 =	sadd.s32 s1, s30  }
0xba: {  	s0 =	sor.u32 s3, s0;
	s1 =	sshll.u32 s1, $0x11  }
0xbb: {  	s0 =	sor.u32 s1, s0  }
0xbc: {  	s0 =	sadd.s32 $0x8F2B, s0  }
0xbd: {  	[sflag:s0] =	ssyncadd.remote.s32 $0x1  }
0xbe: {  	_ =	sfence.sel $0xFFFF  }
0xbf: {  	[dreg:$0x0] =	wrdreg $0xFFFFFFFF;
	(pc) =	sbr.abs _section_cstart, $3  }
0xc0: {  	[dreg:$0x1] =	wrdreg $0xFFFFFFFF  }
0xc1: {  	_ =	task.clear_ibuf [dreg:s7], $0x2FFFF;
	_ =	strace $0x9FFFFFFF  }
0xc2: {  	(tm) =	ssettm $0x7FFFFFFF  }
0xc3: {  	_ =	shalt  }
tec
execute0_lowered:
.L_overlay_start_1:
0x0: {  	(tag) =	ssettag $0x1  }
0x1: {  	s4 =	rddreg [dreg:$0x0]  }
0x2: {  	s15 =	rddreg [dreg:$0x1]  }
0x3: {  	s3 =	srdreg.scid;
	s1 =	stileid.u32;
	s2 =	simm.s32 $0x0  }
0x4: {  	s19 =	simm.s32 $0x500;
	s20 =	simm.s32 $0x2;
	s21 =	simm.s32 $0xA500  }
0x5: {  	s22 =	simm.s32 $0x3;
	s23 =	simm.s32 $0x5;
	s24 =	simm.s32 $0x4  }
0x6: {  	s25 =	simm.s32 $0x6;
	s7 =	sand.u32 $0x1, s3;
	s26 =	sshll.u32 s1, $0x1  }
0x7: {  	[smem:$0x7FF] =	sst s2;
	s3 =	sadd.s32 $0x19800, s4;
	s12 =	smul.u32 $0xC800, s1  }
0x8: {  	s14 =	sadd.s32 $0x800, s4;
	s5 =	sor.u32 s7, s26;
	s13 =	smul.u32 $0x6400, s7  }
0x9: {  	_ =	strace $0x80000047;
	s28 =	ssub.s32 $0x2, s7;
	s6 =	smul.u32 $0x6400, s5  }
0xa: {  	s26 =	simm.s32 $0x0;
	s8 =	sshrl.u32 s28, $0x1;
	s9 =	smul.u32 $0x190000, s5  }
0xb: {  	s29 =	smul.u32 $0x32000, s5;
	s10 =	ssub.s32 s28, s8;
	s13 =	sadd.s32 s13, s12  }
0xc: {  	s6 =	sshrl.u32 s6, $0x3;
	s30 =	sshrl.u32 s9, $0x3;
	s9 =	smax.u32 s10, $0x1  }
0xd: {  	s16 =	sadd.s32 $0xA00, s13;
	s17 =	sadd.s32 $0x780, s13;
	s18 =	sshll.u32 s13, $0x3  }
0xe: {  	s4 =	sadd.s32 s14, s6;
	s6 =	sadd.s32 s15, s29;
	s8 =	sadd.s32 s15, s30  }
0xf: {  	s16 =	sshrl.u32 s16, $0x3;
	s17 =	sshrl.u32 s17, $0x3;
	s31 =	sadd.s32 s15, s18  }
0x10: {  	s18 =	simm.s32 $0x280;
	s5 =	sadd.s32 $0x50, s4;
	s7 =	sadd.s32 $0xA0, s4  }
0x11: {  	s8 =	sadd.s32 $0x30C00, s8;
	s10 =	sadd.s32 $0x2E400, s6;
	s11 =	sadd.s32 $0xC30, s4  }
0x12: {  	s12 =	sadd.s32 $0x2F800, s6;
	s13 =	sadd.s32 s16, s14;
	s14 =	sadd.s32 s17, s14  }
0x13: {  	s15 =	sadd.s32 $0x1400, s31;
	s16 =	sadd.s32 $0x2800, s31;
	s17 =	simm.s32 $0x1  }
.LBB2_1:
0x14: {  	[tilespmem:s2], [sflag:$0x1] =	stream.linear.gather [hbm4b:s4+s2], $0x280, $0x38;
	[tilespmem:$0x14500] =	vst v63  }
0x15: {  	_ =	swait.ge [sflag:s17], $0x280  }
0x16: {  	[sflag:s17] =	ssyncset.done $0x0  }
0x17: {  	[sflag:s17] =	ssyncadd.s32 $0xFFFFFD80  }
0x18: {  	[tilespmem:s19], [sflag:$0x3] =	stream.indirect.gather [hbm4b:s3+s18], $0x40, s2, s18, $0xb8;
	[tilespmem:$0x14500] =	vst v63  }
0x19: {  	_ = 	snop  }
0x1a: {  	[tilespmem:s18], [sflag:$0x2] =	stream.linear.gather [hbm4b:s5+s2], $0x280, $0x38;
	[tilespmem:$0x14500] =	vst v63  }
0x1b: {  	_ =	swait.ge [sflag:s20], $0x280  }
0x1c: {  	[sflag:s20] =	ssyncset.done $0x0  }
0x1d: {  	[sflag:s20] =	ssyncadd.s32 $0xFFFFFD80  }
0x1e: {  	[tilespmem:s21], [sflag:$0x4] =	stream.indirect.gather [hbm4b:s3+s18], $0x40, s18, s18, $0xb8;
	[tilespmem:$0x14500] =	vst v63  }
0x1f: {  	_ =	swait.ge [sflag:s22], $0xA000  }
0x20: {  	[sflag:s22] =	ssyncset.done $0x0  }
0x21: {  	[sflag:s22] =	ssyncadd.s32 $0xFFFF6000  }
0x22: {  	[hbm4b:s6+s2] =	stream.linear.scatter [tilespmem:s19], [sflag:$0x5], $0xA000, $0x38;
	[tilespmem:$0x14500] =	vst v63  }
0x23: {  	_ = 	snop  }
0x24: {  	[tilespmem:s2], [sflag:$0x1] =	stream.linear.gather [hbm4b:s7+s2], $0x280, $0x38;
	[tilespmem:$0x14500] =	vst v63  }
0x25: {  	_ =	swait.ge [sflag:s17], $0x280  }
0x26: {  	[sflag:s17] =	ssyncset.done $0x0  }
0x27: {  	[sflag:s17] =	ssyncadd.s32 $0xFFFFFD80  }
0x28: {  	_ =	swait.ge [sflag:s23], $0xA000  }
0x29: {  	[sflag:s23] =	ssyncset.done $0x0  }
0x2a: {  	[sflag:s23] =	ssyncadd.s32 $0xFFFF6000  }
0x2b: {  	[tilespmem:s19], [sflag:$0x3] =	stream.indirect.gather [hbm4b:s3+s18], $0x40, s2, s18, $0xb8;
	[tilespmem:$0x14500] =	vst v63  }
0x2c: {  	_ =	swait.ge [sflag:s24], $0xA000  }
0x2d: {  	[sflag:s24] =	ssyncset.done $0x0  }
0x2e: {  	[sflag:s24] =	ssyncadd.s32 $0xFFFF6000  }
0x2f: {  	[hbm4b:s15+s2] =	stream.linear.scatter [tilespmem:s21], [sflag:$0x6], $0xA000, $0x38;
	[tilespmem:$0x14500] =	vst v63  }
0x30: {  	s28 =	sadd.s32 $0x0, s14  }
0x31: {  	[tilespmem:s18], [sflag:$0x2] =	stream.linear.gather [hbm4b:s28+s2], $0x280, $0x38;
	[tilespmem:$0x14500] =	vst v63  }
0x32: {  	_ =	swait.ge [sflag:s20], $0x280  }
0x33: {  	[sflag:s20] =	ssyncset.done $0x0  }
0x34: {  	[sflag:s20] =	ssyncadd.s32 $0xFFFFFD80  }
0x35: {  	_ =	swait.ge [sflag:s25], $0xA000  }
0x36: {  	[sflag:s25] =	ssyncset.done $0x0  }
0x37: {  	[sflag:s25] =	ssyncadd.s32 $0xFFFF6000  }
0x38: {  	[tilespmem:s21], [sflag:$0x4] =	stream.indirect.gather [hbm4b:s3+s18], $0x40, s18, s18, $0xb8;
	[tilespmem:$0x14500] =	vst v63  }
0x39: {  	_ =	swait.ge [sflag:s22], $0xA000  }
0x3a: {  	s31 =	sadd.s32 $0x0, s13;
	s29 =	sadd.s32 $0x2800, s15;
	[sflag:s22] =	ssyncset.done $0x0  }
0x3b: {  	s30 =	sadd.s32 $0x2800, s16;
	s28 =	simm.s32 $0xA0;
	[sflag:s22] =	ssyncadd.s32 $0xFFFF6000  }
0x3c: {  	[hbm4b:s16+s2] =	stream.linear.scatter [tilespmem:s19], [sflag:$0x5], $0xA000, $0x38;
	[tilespmem:$0x14500] =	vst v63  }
.LBB2_2:
0x3d: {  	[tilespmem:s2], [sflag:$0x1] =	stream.linear.gather [hbm4b:s31+s2], $0x280, $0x38;
	[tilespmem:$0x14500] =	vst v63  }
0x3e: {  	s31 =	smov.u32 s28  }
0x3f: {  	p0 =	sne.s32 s28, $0xAA0;
	s28 =	sadd.s32 $0xA0, s28;
	_ =	swait.ge [sflag:s17], $0x280  }
0x40: {  	[sflag:s17] =	ssyncset.done $0x0  }
0x41: {  	[sflag:s17] =	ssyncadd.s32 $0xFFFFFD80  }
0x42: {  	_ =	swait.ge [sflag:s23], $0xA000  }
0x43: {  	[sflag:s23] =	ssyncset.done $0x0  }
0x44: {  	[sflag:s23] =	ssyncadd.s32 $0xFFFF6000  }
0x45: {  	[tilespmem:s19], [sflag:$0x3] =	stream.indirect.gather [hbm4b:s3+s18], $0x40, s2, s18, $0xb8;
	[tilespmem:$0x14500] =	vst v63  }
0x46: {  	_ =	swait.ge [sflag:s24], $0xA000  }
0x47: {  	[sflag:s24] =	ssyncset.done $0x0  }
0x48: {  	[sflag:s24] =	ssyncadd.s32 $0xFFFF6000  }
0x49: {  	[hbm4b:s29+s2] =	stream.linear.scatter [tilespmem:s21], [sflag:$0x6], $0xA000, $0x38;
	[tilespmem:$0x14500] =	vst v63  }
0x4a: {  	s0 =	sadd.s32 s31, s14  }
0x4b: {  	[tilespmem:s18], [sflag:$0x2] =	stream.linear.gather [hbm4b:s0+s2], $0x280, $0x38;
	[tilespmem:$0x14500] =	vst v63  }
0x4c: {  	_ =	swait.ge [sflag:s20], $0x280  }
0x4d: {  	[sflag:s20] =	ssyncset.done $0x0  }
0x4e: {  	[sflag:s20] =	ssyncadd.s32 $0xFFFFFD80  }
0x4f: {  	_ =	swait.ge [sflag:s25], $0xA000  }
0x50: {  	[sflag:s25] =	ssyncset.done $0x0  }
0x51: {  	[sflag:s25] =	ssyncadd.s32 $0xFFFF6000  }
0x52: {  	[tilespmem:s21], [sflag:$0x4] =	stream.indirect.gather [hbm4b:s3+s18], $0x40, s18, s18, $0xb8;
	[tilespmem:$0x14500] =	vst v63  }
.Ltmp0:
0x53: {  	_ =	swait.ge [sflag:s22], $0xA000;
	(pc) =	sbr.rel @p0 .LBB2_2-.Ltmp0, $4  }
0x54: {  	[sflag:s22] =	ssyncset.done $0x0  }
0x55: {  	[sflag:s22] =	ssyncadd.s32 $0xFFFF6000  }
0x56: {  	[hbm4b:s30+s2] =	stream.linear.scatter [tilespmem:s19], [sflag:$0x5], $0xA000, $0x38;
	[tilespmem:$0x14500] =	vst v63  }
0x57: {  	s31 =	sadd.s32 s31, s13;
	s29 =	sadd.s32 $0x2800, s29;
	s30 =	sadd.s32 $0x2800, s30  }
0x58: {  	[tilespmem:s2], [sflag:$0x1] =	stream.linear.gather [hbm4b:s31+s2], $0x280, $0x38;
	[tilespmem:$0x14500] =	vst v63  }
0x59: {  	_ =	swait.ge [sflag:s17], $0x280  }
0x5a: {  	[sflag:s17] =	ssyncset.done $0x0  }
0x5b: {  	[sflag:s17] =	ssyncadd.s32 $0xFFFFFD80  }
0x5c: {  	_ =	swait.ge [sflag:s23], $0xA000  }
0x5d: {  	[sflag:s23] =	ssyncset.done $0x0  }
0x5e: {  	[sflag:s23] =	ssyncadd.s32 $0xFFFF6000  }
0x5f: {  	[tilespmem:s19], [sflag:$0x3] =	stream.indirect.gather [hbm4b:s3+s18], $0x40, s2, s18, $0xb8;
	[tilespmem:$0x14500] =	vst v63  }
0x60: {  	_ =	swait.ge [sflag:s24], $0xA000  }
0x61: {  	[sflag:s24] =	ssyncset.done $0x0  }
0x62: {  	[sflag:s24] =	ssyncadd.s32 $0xFFFF6000  }
0x63: {  	[hbm4b:s10+s2] =	stream.linear.scatter [tilespmem:s21], [sflag:$0x6], $0xA000, $0x38;
	[tilespmem:$0x14500] =	vst v63  }
0x64: {  	_ = 	snop  }
0x65: {  	[tilespmem:s18], [sflag:$0x2] =	stream.linear.gather [hbm4b:s11+s2], $0x280, $0x38;
	[tilespmem:$0x14500] =	vst v63  }
0x66: {  	_ =	swait.ge [sflag:s20], $0x280  }
0x67: {  	[sflag:s20] =	ssyncset.done $0x0  }
0x68: {  	[sflag:s20] =	ssyncadd.s32 $0xFFFFFD80  }
0x69: {  	_ =	swait.ge [sflag:s25], $0xA000  }
0x6a: {  	[sflag:s25] =	ssyncset.done $0x0  }
0x6b: {  	[sflag:s25] =	ssyncadd.s32 $0xFFFF6000  }
0x6c: {  	[tilespmem:s21], [sflag:$0x4] =	stream.indirect.gather [hbm4b:s3+s18], $0x40, s18, s18, $0xb8;
	[tilespmem:$0x14500] =	vst v63  }
0x6d: {  	_ =	swait.ge [sflag:s22], $0xA000  }
0x6e: {  	[sflag:s22] =	ssyncset.done $0x0  }
0x6f: {  	[sflag:s22] =	ssyncadd.s32 $0xFFFF6000  }
0x70: {  	[hbm4b:s12+s2] =	stream.linear.scatter [tilespmem:s19], [sflag:$0x5], $0xA000, $0x38;
	[tilespmem:$0x14500] =	vst v63  }
0x71: {  	_ = 	snop  }
0x72: {  	[tilespmem:s2], [sflag:$0x1] =	stream.linear.gather [hbm4b:s4+s2], $0x280, $0x38;
	[tilespmem:$0x14500] =	vst v63  }
0x73: {  	_ =	swait.ge [sflag:s24], $0xA000  }
0x74: {  	[sflag:s24] =	ssyncset.done $0x0  }
0x75: {  	[sflag:s24] =	ssyncadd.s32 $0xFFFF6000  }
0x76: {  	[hbm4b:s8+s2] =	stream.linear.scatter [tilespmem:s21], [sflag:$0x6], $0xA000, $0x38;
	[tilespmem:$0x14500] =	vst v63  }
0x77: {  	_ =	swait.ge [sflag:s23], $0xA000  }
0x78: {  	[sflag:s23] =	ssyncset.done $0x0  }
0x79: {  	s26 =	sadd.s32 $0x1, s26;
	[sflag:s23] =	ssyncadd.s32 $0xFFFF6000  }
0x7a: {  	p0 =	sne.s32 s26, s9;
	_ =	swait.ge [sflag:s25], $0xA000  }
.Ltmp1:
0x7b: {  	[sflag:s25] =	ssyncset.done $0x0;
	(pc) =	sbr.rel @p0 .LBB2_1-.Ltmp1, $4  }
0x7c: {  	[sflag:s25] =	ssyncadd.s32 $0xFFFF6000  }
0x7d: {  	_ =	swait.ge [sflag:s17], $0x280  }
0x7e: {  	[sflag:s17] =	ssyncset.done $0x0  }
0x7f: {  	[sflag:s17] =	ssyncadd.s32 $0xFFFFFD80  }
0x80: {  	_ =	sfence.sel $0x180000  }
0x81: {  	[bflag:$0x0] =	sbarrier.arrive $0xFFFF  }
0x82: {  	_ =	strace $0x90000047  }
0x83: {  	[bflag:$0x2] =	sbarrier.arrive $0xFFFF  }
0x84: {  	p0 =	sne.s32 s1, $0x0;
	s0 =	rddreg [dreg:$0x2]  }
0x85: {  	s0 =	sadd.s32 @!p0 $0x100000, s0  }
0x86: {  	[sflag:s0] =	ssyncadd.tile.s32 @!p0 $0x1;
	_ =	shalt  }
.Lfunc_end2:
_tile_overlayer_lowered:
.L_overlay_start_2:
0x87: {  	(tag) =	ssettag $0x2  }
0x88: {  	s0 =	rddreg [dreg:$0x0];
	s2 =	stileid.u32  }
0x89: {  	s1 =	rddreg [dreg:$0x1];
	p0 =	sne.s32 s2, $0x0  }
0x8a: {  	s3 =	rddreg [dreg:$0x2];
	[bflag:$0x3] =	sbarrier.arrive $0xFFFF;
	s2 =	simm.s32 @!p0 $0x1C07  }
0x8b: {  	[timem:s3], [sflag:s2] =	dma.local @!p0 [hbm:s0], s1  }
0x8c: {  	s0 =	simm.s32 @!p0 $0x7  }
0x8d: {  	_ =	swait.ge @!p0 [sflag:s0], s1  }
0x8e: {  	s1 =	ssub.s32 @!p0 $0x0, s1;
	[sflag:s0] =	ssyncset.done @!p0 $0x0  }
0x8f: {  	[sflag:s0] =	ssyncadd.s32 @!p0 s1  }
0x90: {  	[bflag:$0x3] =	sbarrier.arrive $0xFFFF  }
0x91: {  	_ =	shalt  }

// kernel: sparse-core-data-format-call.cloned.1.call-start
scs
called_computation_lowered:
.L_overlay_start_0:
0x0: {  	s2 =	sld [smem:$0x3FD9]  }
0x1: {  	s3 =	sld [smem:$0x3FFE];
	_ =	sdelay $0x1  }
0x2: {  	s1 =	srdreg.scid  }
0x3: {  	s0 =	sand.u32 $0x1, s1  }
0x4: {  	s18 =	sshll.u32 s0, $0xA;
	s2 =	sadd.s32 s3, s2  }
0x5: {  	s2 =	sadd.s32 s2, s18  }
0x6: {  	[smem:$0x3FC5] =	sst s2  }
0x7: {  	_ = 	snop  }
0x8: {  	s2 =	sld [smem:$0x3FD0];
	(tm) =	ssettm $0x1  }
0x9: {  	s19 =	sld [smem:$0x3FFB];
	_ =	sdelay $0x3  }
0xa: {  	_ =	strace s19  }
0xb: {  	s3 =	sld [smem:$0x3FFC];
	_ =	sdelay $0x3  }
0xc: {  	_ =	strace s3  }
0xd: {  	s3 =	sld [smem:$0x3FFD];
	_ =	sdelay $0x3  }
0xe: {  	_ =	strace s3  }
0xf: {  	_ =	strace $0x8FFFFFFF  }
0x10: {  	s20 =	sld [smem:$0x3FDB];
	_ =	sdelay $0x1  }
0x11: {  	s4 =	simm.s32 $_scs_section_size  }
0x12: {  	s5 =	simm.s32 $_size__tile_overlayer_lowered;
	s6 =	simm.s32 $_tile_overlayer_lowered  }
0x13: {  	s23 =	simm.s32 $0x1BFF;
	s22 =	sshll.u32 s6, $0x1;
	s3 =	sadd.s32 s4, s20  }
0x14: {  	s7 =	simm.s32 $0x0;
	s21 =	sshll.u32 s5, $0x1;
	s5 =	sadd.s32 s22, s3  }
0x15: {  	[timem:s7], [sflag:s23] =	dma.local [hbm:s5], s21  }
0x16: {  	_ =	swait.ge [sflag:s23], s21  }
0x17: {  	s4 =	ssub.s32 $0x0, s21;
	[sflag:s23] =	ssyncset.done $0x0  }
0x18: {  	[sflag:s23] =	ssyncadd.s32 s4;
	_ =	sdelay $0x1  }
0x19: {  	s24 =	simm.s32 $0x1B8B  }
0x1a: {  	_ =	swait.ge [sflag:s24], $0x1  }
0x1b: {  	[sflag:s24] =	ssyncset.done $0x0  }
0x1c: {  	s26 =	simm.s32 $0x1B8E;
	s25 =	sld [smem:$0x3FFE];
	[sflag:s24] =	ssyncadd.s32 $0xFFFFFFFF  }
0x1d: {  	s27 =	simm.s32 $execute0_lowered;
	[smem:$0x3FD2] =	sst s26  }
0x1e: {  	s5 =	sshll.u32 s27, $0x1;
	_ =	strace $0x80000049;
	[dreg:$0x1] =	wrdreg $0xFFFFFFFF  }
0x1f: {  	s28 =	simm.s32 $_size_execute0_lowered;
	s3 =	sadd.s32 s3, s5;
	[dreg:$0x0] =	wrdreg $0x0  }
0x20: {  	s5 =	sshll.u32 s28, $0x1;
	[dreg:$0x2] =	wrdreg s3  }
0x21: {  	[dreg:$0x3] =	wrdreg s5  }
0x22: {  	[dreg:$0x4] =	wrdreg $0xC0  }
0x23: {  	_ =	task [dreg:s7], $0x5FFFF  }
0x24: {  	[dreg:$0x1] =	wrdreg $0xFFFFFFFF  }
0x25: {  	[dreg:$0x0] =	wrdreg $0x60  }
0x26: {  	[dreg:$0x2] =	wrdreg s25  }
0x27: {  	[dreg:$0x3] =	wrdreg s2  }
0x28: {  	[dreg:$0x4] =	wrdreg $0x9  }
0x29: {  	_ =	task.clear_ibuf [dreg:s7], $0x5FFFF;
	_ =	strace $0x90000049  }
0x2a: {  	s29 =	simm.s32 $0x9;
	_ =	strace $0x8000004B  }
0x2b: {  	_ =	swait.ge [sflag:s29], $0x1  }
0x2c: {  	[sflag:s29] =	ssyncadd.s32 $0xFFFFFFFF  }
0x2d: {  	_ =	strace $0x9000004B  }
0x2e: {  	_ =	sfence  }
0x2f: {  	s30 =	sld [smem:$0x0];
	_ =	sdelay $0x2  }
0x30: {  	s31 =	sshll.u32 s1, $0xD;
	s1 =	sshrl.u32 s1, $0x2  }
0x31: {  	s3 =	sand.u32 $0x4000, s31;
	s1 =	sadd.s32 s1, s30  }
0x32: {  	s0 =	sor.u32 s3, s0;
	s1 =	sshll.u32 s1, $0x11  }
0x33: {  	s0 =	sor.u32 s1, s0  }
0x34: {  	s0 =	sadd.s32 $0x8F2B, s0  }
0x35: {  	[sflag:s0] =	ssyncadd.remote.s32 $0x1  }
0x36: {  	_ =	sfence.sel $0xFFFF  }
0x37: {  	[dreg:$0x0] =	wrdreg $0xFFFFFFFF;
	(pc) =	sbr.abs _section_cstart, $3  }
0x38: {  	[dreg:$0x1] =	wrdreg $0xFFFFFFFF  }
0x39: {  	_ =	task.clear_ibuf [dreg:s7], $0x2FFFF;
	_ =	strace $0x9FFFFFFF  }
0x3a: {  	(tm) =	ssettm $0x7FFFFFFF  }
0x3b: {  	_ =	shalt  }
tec
execute0_lowered:
.L_overlay_start_1:
0x0: {  	(tag) =	ssettag $0x1  }
0x1: {  	s0 =	srdreg.scid  }
0x2: {  	s1 =	sshll.u32 s0, $0x4  }
0x3: {  	s0 =	stileid.u32;
	s1 =	sand.u32 $0x10, s1  }
0x4: {  	s1 =	sor.u32 s0, s1  }
0x5: {  	s6 =	rddreg [dreg:$0x0];
	s4 =	simm.s32 $0x1;
	s2 =	sshll.u32 s1, $0x7  }
0x6: {  	s7 =	simm.s32 $0x2;
	s12 =	simm.s32 $0x0;
	s1 =	ssub.s32 $0x1000, s2  }
0x7: {  	s8 =	simm.s32 $0x8000;
	s13 =	simm.s32 $0x0;
	s3 =	sand.u32 $0xF80, s1  }
0x8: {  	s9 =	simm.s32 $0x0;
	s5 =	sshrl.u32 s1, $0xC;
	p0 =	sne.s32 s3, $0x0  }
.Ltmp0:
0x9: {  	s1 =	rddreg [dreg:$0x2];
	s4 =	simm.s32 @!p0 $0x0;
	(pc) =	sbr.rel .LBB1_1-.Ltmp0, $4  }
0xa: {  	s11 =	simm.s32 $0x0;
	s3 =	rddreg [dreg:$0x1];
	s5 =	sadd.s32 s4, s5  }
0xb: {  	_ =	strace $0x8000004A;
	s4 =	simm.s32 $0x1;
	s5 =	smul.u32 $0xC8, s5  }
0xc: {  	s6 =	sadd.s32 $0x800, s6;
	s10 =	smov.u32 s2;
	[sflag:s4] =	ssyncpa.u1 $0x0  }
0xd: {  	p0 =	por $0x0, $0x0;
	[sflag:s7] =	ssyncpa.u1 $0x0;
	s7 =	sor.u32 $0x1, s5  }
.LBB1_4:
0xe: {  	s16 =	sshll.u32 s13, $0x3;
	s17 =	sand.u32 $0x78, s13  }
0xf: {  	s30 =	sand.u32 $0x7E00, s13;
	s12 =	sshll.u32 s12, $0xF;
	s16 =	sand.u32 $0xC00, s16  }
0x10: {  	[tilespmem:s15+$0x810 ss:$0x81] =	vst.msk $0xffff, v2;
	s31 =	sand.u32 $0x7, s13;
	s16 =	sor.u32 s17, s16;
	s17 =	sadd.s32 s3, s30  }
0x11: {  	[tilespmem:s15+$0x1020 ss:$0x81] =	vst.msk $0xffff, v0;
	s13 =	sshll.u32 s31, $0x12;
	s12 =	sadd.s32 s12, s17;
	s16 =	sshrl.u32 s16, $0x3  }
0x12: {  	[tilespmem:s15+$0x0 ss:$0x81] =	vst.msk $0xffff, v1;
	s13 =	sor.u32 $0x400, s13;
	s12 =	sadd.s32 s16, s12  }
0x13: {  	[hbm4b:s12+s13] =	stream.strided.scatter [tilespmem:s14], [sflag:$0x2], $0x2000, s8, s13, $0x20;
	[tilespmem:$0x8080] =	vst v63  }
.LBB1_5:
0x14: {  	s14 =	sadd.s32 $0x1, s9  }
0x15: {  	s12 =	sadd.s32 $0x1000, s10;
	s16 =	smov.u32 s10;
	p2 =	sgt.s32 s14, $0xC7  }
0x16: {  	s16 =	smov.u32 @p2 s12  }
0x17: {  	s14 =	simm.s32 @p2 $0x0;
	p2 =	sgt.s32 s16, $0xFFF  }
0x18: {  	s16 =	smov.u32 @p2 s2;
	p2 =	sne.s32 s11, s7  }
.Ltmp1:
0x19: {  	p1 =	slt.u32 s11, $0x2;
	(pc) =	sbr.rel @!p2 .LBB1_6-.Ltmp1, $4  }
0x1a: {  	s15 =	simm.s32 @!p1 $0x2  }
0x1b: {  	s13 =	smov.u32 s10;
	p0 =	por !p0, !p0;
	_ =	swait.ge @!p1 [sflag:s15], $0x2000  }
0x1c: {  	s12 =	smov.u32 s9;
	[sflag:s15] =	ssyncset.done @!p1 $0x0;
	s9 =	smov.u32 s14  }
0x1d: {  	s11 =	sadd.s32 $0x1, s11;
	[sflag:s15] =	ssyncadd.s32 @!p1 $0xFFFFE000;
	s10 =	smov.u32 s16  }
.LBB1_1:
0x1e: {  	p1 =	sge.u32 s11, s5  }
0x1f: {  	s14 =	sand.u32 @!p1 $0x1FFFFFF, s9  }
0x20: {  	s15 =	smulhi.u32 @!p1 $0x147AE15, s14;
	_ =	sdelay $0x1  }
0x21: {  	s15 =	smul.u32 @!p1 $0xC8, s15  }
0x22: {  	s16 =	sxor.u32 @!p1 $0xFFFFFFFF, s11;
	s17 =	smul.u32 @!p1 $0xC80, s10  }
0x23: {  	s31 =	sadd.s32 $0xFFFFFFFF, s11;
	s16 =	sshll.u32 @!p1 s16, $0xD;
	s14 =	ssub.s32 @!p1 s14, s15  }
0x24: {  	s15 =	sand.u32 @!p1 $0x2000, s16;
	s16 =	sadd.s32 @!p1 s6, s17;
	s14 =	sshll.u32 @!p1 s14, $0x4  }
0x25: {  	s17 =	simm.s32 @!p1 $0x6400;
	s14 =	sadd.s32 @!p1 s14, s16;
	s16 =	simm.s32 @!p1 $0x40  }
0x26: {  	[tilespmem:s15], [sflag:$0x1] =	stream.strided.gather @!p1 [hbm4b:s14+s16], $0x2000, s17, s16, $0x38;
	[tilespmem:$0x8080] =	vst v63  }
0x27: {  	p1 =	sge.u32 s31, s5  }
.Ltmp2:
0x28: {  	_ = 	snop;
	(pc) =	sbr.rel @p1 .LBB1_5-.Ltmp2, $1  }
0x29: {  	_ =	sdelay $0x3  }
0x2a: {  	s14 =	simm.s32 $0x1  }
0x2b: {  	_ =	swait.ge [sflag:s4], $0x2000;
	s14 =	simm.s32 @!p0 $0x0  }
0x2c: {  	[sflag:s4] =	ssyncset.done $0x0;
	s15 =	sshll.u32 s14, $0xD  }
0x2d: {  	[sflag:s4] =	ssyncadd.s32 $0xFFFFE000;
	s18 =	sor.u32 $0x20, s15  }
0x2e: {  	s14 =	smul.u32 $0x8100, s14;
	v3 =	vld [tilespmem:s18+$0x10]  }
0x2f: {  	s30 =	sand.u32 $0x1, s11;
	v2 =	vld [tilespmem:s18+$0xFFFFFFF0]  }
0x30: {  	s15 =	smul.u32 $0x8100, s30;
	s14 =	sshrl.u32 s14, $0x2;
	v0 =	vld [tilespmem:s18+$0x0]  }
0x31: {  	v1 =	vld [tilespmem:s18+$0xFFFFFFE0];
	s16 =	sor.u32 $0x4000, s14  }
0x32: {  	s31 =	sshrl.u32 s15, $0x2;
	s15 =	sadd.s32 $0x0, s16  }
0x33: {  	s17 =	simm.s32 $0x4;
	s18 =	sadd.s32 $0x40, s18;
	s14 =	sor.u32 $0x4000, s31;
	[tilespmem:s15+$0x1830 ss:$0x81] =	vst.msk $0xffff, v3  }
.LBB1_3:
0x34: {  	v3 =	vld [tilespmem:s18+$0x10];
	p1 =	sne.s32 s17, $0x1FC;
	[tilespmem:s15+$0x810 ss:$0x81] =	vst.msk $0xffff, v2;
	s19 =	smov.u32 s17;
	s17 =	sadd.s32 $0x4, s17  }
.Ltmp3:
0x35: {  	v2 =	vld [tilespmem:s18+$0xFFFFFFF0];
	[tilespmem:s15+$0x1020 ss:$0x81] =	vst.msk $0xffff, v0;
	(pc) =	sbr.rel @p1 .LBB1_3-.Ltmp3, $4  }
0x36: {  	v0 =	vld [tilespmem:s18+$0x0];
	[tilespmem:s15+$0x0 ss:$0x81] =	vst.msk $0xffff, v1  }
0x37: {  	s15 =	sshra.s32 s19, $0x2;
	v1 =	vld [tilespmem:s18+$0xFFFFFFE0]  }
0x38: {  	s15 =	sadd.s32 s15, s16  }
0x39: {  	s18 =	sadd.s32 $0x40, s18;
	[tilespmem:s15+$0x1830 ss:$0x81] =	vst.msk $0xffff, v3  }
.Ltmp4:
0x3a: {  	_ = 	snop;
	(pc) =	sbr.rel .LBB1_4-.Ltmp4, $1  }
0x3b: {  	_ =	sdelay $0x3  }
.LBB1_6:
0x3c: {  	_ =	sfence.sel $0x180000  }
0x3d: {  	s2 =	simm.s32 $0x1;
	[bflag:$0x0] =	sbarrier.arrive $0xFFFF  }
0x3e: {  	s31 =	simm.s32 $0x2;
	[sflag:s2] =	ssyncpa.u1 $0x1  }
0x3f: {  	[sflag:s31] =	ssyncpa.u1 $0x1  }
0x40: {  	p0 =	sne.s32 s0, $0x0;
	_ =	strace $0x9000004A  }
0x41: {  	s0 =	sadd.s32 @!p0 $0x100000, s1;
	[bflag:$0x2] =	sbarrier.arrive $0xFFFF  }
0x42: {  	[sflag:s0] =	ssyncadd.tile.s32 @!p0 $0x1;
	_ =	shalt  }
.Lfunc_end1:
_tile_overlayer_lowered:
.L_overlay_start_2:
0x43: {  	(tag) =	ssettag $0x2  }
0x44: {  	s0 =	rddreg [dreg:$0x0];
	s2 =	stileid.u32  }
0x45: {  	s1 =	rddreg [dreg:$0x1];
	p0 =	sne.s32 s2, $0x0  }
0x46: {  	s3 =	rddreg [dreg:$0x2];
	[bflag:$0x3] =	sbarrier.arrive $0xFFFF;
	s2 =	simm.s32 @!p0 $0x1C01  }
0x47: {  	[timem:s3], [sflag:s2] =	dma.local @!p0 [hbm:s0], s1  }
0x48: {  	s0 =	simm.s32 @!p0 $0x1  }
0x49: {  	_ =	swait.ge @!p0 [sflag:s0], s1  }
0x4a: {  	s1 =	ssub.s32 @!p0 $0x0, s1;
	[sflag:s0] =	ssyncset.done @!p0 $0x0  }
0x4b: {  	[sflag:s0] =	ssyncadd.s32 @!p0 s1  }
0x4c: {  	[bflag:$0x3] =	sbarrier.arrive $0xFFFF  }
0x4d: {  	_ =	shalt  }

</sc_bundles>
